<compile_context>
chip_gen: v7x
topology: tpu7x:2x2x1
jax: 0.10.2.dev20260603
libtpu: 0.0.44.dev20260713+nightly
codegen_flags: <defaults>
</compile_context>

<pallas_src>
import functools
import jax
import jax.numpy as jnp
from jax import lax
from jax.experimental import pallas as pl
from jax.experimental.pallas import tpu as pltpu
from jax.experimental.pallas import tpu_sc as plsc

R = 16
N = 131072
TWO_N = 2 * N
W = 2048
NWIN = N // W
HIST = 65536
CHUNK = 8192
TOTAL = R * TWO_N
SETTLE = 8000

_mesh = plsc.VectorSubcoreMesh(core_axis_name="c", subcore_axis_name="s")


def _keys_from_f32(x, tag_u32):
    b = lax.bitcast_convert_type(x, jnp.uint32)
    neg = (b >> 31) != 0
    k = jnp.where(neg, ~b, b | jnp.uint32(0x80000000))
    return (k & jnp.uint32(0xFFFFFFFE)) | tag_u32


def _hist_zero(hist):
    def body(j, carry):
        hist[pl.ds(j * 16, 16)] = jnp.zeros((16,), jnp.int32)
        return carry
    lax.fori_loop(0, HIST // 16, body, 0)


def _scan_hist(hist, pchunk, shared_hist, s, h, init):
    partner = s ^ 1

    def chunk_body(ch, carry):
        pltpu.sync_copy(hist.at[pl.ds(ch * CHUNK, CHUNK)], shared_hist.at[s])
        plsc.subcore_barrier()
        pltpu.sync_copy(shared_hist.at[partner], pchunk)

        def vec_body(j, carry2):
            own = hist[pl.ds(ch * CHUNK + j * 16, 16)]
            par = pchunk[pl.ds(j * 16, 16)]
            tot = own + par
            incl = plsc.cumsum(tot)
            base = incl - tot + carry2 + par * h
            hist[pl.ds(ch * CHUNK + j * 16, 16)] = base
            return carry2 + jnp.sum(tot)

        carry = lax.fori_loop(0, CHUNK // 16, vec_body, carry)
        plsc.subcore_barrier()
        return carry

    lax.fori_loop(0, HIST // CHUNK, chunk_body, init)


@functools.partial(
    pl.kernel,
    out_type=[
        jax.ShapeDtypeStruct((512,), jnp.float32),
        jax.ShapeDtypeStruct((TOTAL,), jnp.uint32),
        jax.ShapeDtypeStruct((TOTAL,), jnp.uint32),
    ],
    mesh=_mesh,
    compiler_params=pltpu.CompilerParams(needs_layout_passes=False),
    scratch_types=[
        pltpu.VMEM((HIST,), jnp.int32),
        pltpu.VMEM((CHUNK,), jnp.int32),
        pltpu.VMEM((W,), jnp.float32),
        pltpu.VMEM((W,), jnp.uint32),
        pltpu.VMEM((W,), jnp.int32),
        pltpu.VMEM_SHARED((16, CHUNK), jnp.int32),
        pltpu.SemaphoreType.DMA,
    ],
)
def _sc_sort_reduce(u_hbm, v_hbm, t_out, buf_a, buf_b,
                    hist, pchunk, fwin, kwin, iwin, shared_hist, sem):
    c = lax.axis_index("c")
    s = lax.axis_index("s")
    row = c * 8 + s // 2
    h = s % 2
    tag = lax.convert_element_type(h, jnp.uint32)
    row_base = row * TWO_N
    half_base = row_base + h * N
    iota = lax.iota(jnp.int32, 16)

    _hist_zero(hist)

    def p1_win(src_ref):
        def body(w, carry):
            pltpu.sync_copy(src_ref.at[pl.ds(row * N + w * W, W)], fwin)

            def vec_body(j, carry2):
                for jj in range(4):
                    o = (j * 4 + jj) * 16
                    x = fwin[pl.ds(o, 16)]
                    k = _keys_from_f32(x, tag)
                    kwin[pl.ds(o, 16)] = k
                    d = (k & jnp.uint32(0xFFFF)).astype(jnp.int32)
                    cnt, last = plsc.scan_count(d)
                    plsc.addupdate_scatter(hist, [d], cnt, mask=last)
                return carry2

            lax.fori_loop(0, W // 64, vec_body, 0)
            pltpu.sync_copy(kwin, buf_b.at[pl.ds(half_base + w * W, W)])
            return carry

        lax.fori_loop(0, NWIN, body, 0)

    @pl.when(h == 0)
    def _():
        p1_win(u_hbm)

    @pl.when(h == 1)
    def _():
        p1_win(v_hbm)

    _scan_hist(hist, pchunk, shared_hist, s, h, row_base)

    def p1s_body(w, carry):
        pltpu.sync_copy(buf_b.at[pl.ds(half_base + w * W, W)], kwin)

        def vec_body(j, carry2):
            for jj in range(4):
                o = (j * 4 + jj) * 16
                k = kwin[pl.ds(o, 16)]
                d = (k & jnp.uint32(0xFFFF)).astype(jnp.int32)
                cnt, last = plsc.scan_count(d)
                base = plsc.load_gather(hist, [d])
                iwin[pl.ds(o, 16)] = base + cnt - 1
                plsc.addupdate_scatter(hist, [d], cnt, mask=last)
            return carry2

        lax.fori_loop(0, W // 64, vec_body, 0)
        pltpu.async_copy(kwin, buf_a.at[iwin], sem).wait()
        return carry

    lax.fori_loop(0, NWIN, p1s_body, 0)
    plsc.subcore_barrier()
    settle = lax.fori_loop(0, SETTLE, lambda i, a: a * 1664525 + i, s)
    iwin[pl.ds(0, 16)] = jnp.broadcast_to(settle, (16,))
    plsc.subcore_barrier()

    _hist_zero(hist)

    def p2h_body(w, carry):
        pltpu.sync_copy(buf_a.at[pl.ds(half_base + w * W, W)], kwin)

        def vec_body(j, carry2):
            for jj in range(4):
                o = (j * 4 + jj) * 16
                k = kwin[pl.ds(o, 16)]
                d = (k >> 16).astype(jnp.int32)
                t = (k & jnp.uint32(1)).astype(jnp.int32)
                d2 = (d << 1) | t
                cnt_all, last = plsc.scan_count(d)
                cnt_tag, _ = plsc.scan_count(d2)
                sgn = 1 - 2 * t
                insig = sgn * (2 * cnt_tag - cnt_all)
                plsc.addupdate_scatter(hist, [d], insig, mask=last)
            return carry2

        lax.fori_loop(0, W // 64, vec_body, 0)
        return carry

    lax.fori_loop(0, NWIN, p2h_body, 0)
    _scan_hist(hist, pchunk, shared_hist, s, h, 0)

    def red_win(w, acc):
        pltpu.sync_copy(buf_a.at[pl.ds(half_base + w * W, W)], kwin)

        def vec_body(j, acc2):
            for jj in range(4):
                o = (j * 4 + jj) * 16
                k = kwin[pl.ds(o, 16)]
                d = (k >> 16).astype(jnp.int32)
                t = (k & jnp.uint32(1)).astype(jnp.int32)
                d2 = (d << 1) | t
                cnt_all, last = plsc.scan_count(d)
                cnt_tag, _ = plsc.scan_count(d2)
                sgn = 1 - 2 * t
                pref = sgn * (2 * cnt_tag - cnt_all)
                g = plsc.load_gather(hist, [d])
                s_glob = (g + pref).astype(jnp.float32)
                plsc.addupdate_scatter(hist, [d], pref, mask=last)
                neg = (k >> 31) == 0
                b = jnp.where(neg, ~k, k ^ jnp.uint32(0x80000000))
                x = lax.bitcast_convert_type(b, jnp.float32)
                sig = lax.convert_element_type(sgn, jnp.float32)
                acc2 = acc2 + x * (1.0 - 2.0 * sig * s_glob)
            return acc2

        return lax.fori_loop(0, W // 64, vec_body, acc)

    acc = lax.fori_loop(0, NWIN, red_win, jnp.zeros((16,), jnp.float32))
    t_half = jnp.sum(acc)
    outvec = jnp.where(iota == 0, t_half, 0.0)
    fwin[pl.ds(0, 16)] = outvec
    wid = c * 16 + s
    pltpu.sync_copy(fwin.at[pl.ds(0, 16)], t_out.at[pl.ds(wid * 16, 16)])


def kernel(u_values, v_values):
    t_parts, _, _ = _sc_sort_reduce(u_values.reshape(-1), v_values.reshape(-1))
    a = t_parts.reshape(2, 8, 2, 16)
    t_row = a[:, :, 0, 0] + a[:, :, 1, 0]
    dist = jnp.sqrt(jnp.maximum(t_row, 0.0)) / N
    return dist.sum() / R

# --- scband reference (transcript-rebuilt; emitter-appended) ---
"""Pipeline reference for scband-lp-norm-distance-75179107549582 (READ-ONLY COPY).

The authoritative reference and input builder live on the scoring server;
editing this copy changes nothing except your own understanding.
"""

import jax, jax.numpy as jnp
import numpy as np

P = 2.0
REDUCTION = 'mean'


def setup_inputs(seed: int = 0) -> dict:
    key = jax.random.key(seed)
    k1, k2 = jax.random.split(key)
    u_values = jax.random.normal(k1, (16, 131072), dtype=jnp.float32)
    v_values = jax.random.normal(k2, (16, 131072), dtype=jnp.float32)
    return {"u_values": u_values, "v_values": v_values}


def _compute_cdf(sorted_values, all_values_head):
    # all_values_head: all_values[:, :-1]
    ss = jax.vmap(lambda s, q: jnp.searchsorted(s, q, side='right'))
    indices = ss(sorted_values, all_values_head)
    return indices.astype(jnp.float32) / sorted_values.shape[1]


def _forward(u_values, v_values):
    u_sorted = jnp.sort(u_values, axis=1)
    v_sorted = jnp.sort(v_values, axis=1)
    all_values = jnp.concatenate([u_sorted, v_sorted], axis=1)
    all_values = jnp.sort(all_values, axis=1)
    x_deltas = jnp.diff(all_values, axis=1)
    head = all_values[:, :-1]
    u_cdf = _compute_cdf(u_sorted, head)
    v_cdf = _compute_cdf(v_sorted, head)
    cdfs_deltas = jnp.abs(u_cdf - v_cdf)
    distance = jnp.power(jnp.sum(cdfs_deltas ** P * x_deltas, axis=1), 1.0 / P)
    if REDUCTION == 'mean':
        return distance.sum() / u_values.shape[0]
    elif REDUCTION == 'sum':
        return distance.sum()
    else:
        return distance


def reference(u_values, v_values):
    return _forward(u_values, v_values)

if __name__ == "__main__":
    import jax
    _d = setup_inputs()
    print(jax.jit(kernel)(*tuple(_d.values())))

</pallas_src>

<mosaic_0001>
#map = affine_map<(d0, d1) -> (0)>
module attributes {stable_mosaic.version = 14 : i64} {
  func.func @_sc_sort_reduce(%arg0: i32, %arg1: i32, %arg2: memref<2097152xf32, #tpu.memory_space<hbm>>, %arg3: memref<2097152xf32, #tpu.memory_space<hbm>>, %arg4: memref<512xf32, #tpu.memory_space<hbm>>, %arg5: memref<4194304xi32, #tpu.memory_space<hbm>>, %arg6: memref<4194304xi32, #tpu.memory_space<hbm>>, %arg7: memref<65536xi32, #tpu.memory_space<vmem>>, %arg8: memref<8192xi32, #tpu.memory_space<vmem>>, %arg9: memref<2048xf32, #tpu.memory_space<vmem>>, %arg10: memref<2048xi32, #tpu.memory_space<vmem>>, %arg11: memref<2048xi32, #tpu.memory_space<vmem>>, %arg12: memref<16x8192xi32, #tpu.memory_space<vmem_shared>>, %arg13: memref<!tpu.dma_semaphore, #tpu.memory_space<semaphore_mem>>) attributes {dimension_semantics = [#tpu.dimension_semantics<core_parallel>, #tpu.dimension_semantics<subcore_parallel>], iteration_bounds = array<i64: 2, 16>, scalar_prefetch = 0 : i64, scratch_operands = 7 : i64, tpu.core_type = #tpu.core_type<sc_vector_subcore>, window_params = [{transform_indices = #map}, {transform_indices = #map}, {transform_indices = #map}, {transform_indices = #map}, {transform_indices = #map}]} {
    %mul3A = arith.constant 8 : i32
    %mul3A_0 = arith.muli %arg0, %mul3A : i32
    %jit3A = arith.constant 2 : i32
    %div3A = arith.divsi %arg1, %jit3A : i32
    %sign3A = arith.constant 0 : i32
    %sign3A_1 = arith.cmpi sgt, %arg1, %sign3A : i32
    %sign3A_2 = arith.extui %sign3A_1 : i1 to i32
    %sign3A_3 = arith.constant 0 : i32
    %sign3A_4 = arith.cmpi slt, %arg1, %sign3A_3 : i32
    %sign3A_5 = arith.extui %sign3A_4 : i1 to i32
    %sign3A_6 = arith.subi %sign3A_2, %sign3A_5 : i32
    %sign3A_7 = arith.constant 0 : i32
    %sign3A_8 = arith.cmpi sgt, %jit3A, %sign3A_7 : i32
    %sign3A_9 = arith.extui %sign3A_8 : i1 to i32
    %sign3A_10 = arith.constant 0 : i32
    %sign3A_11 = arith.cmpi slt, %jit3A, %sign3A_10 : i32
    %sign3A_12 = arith.extui %sign3A_11 : i1 to i32
    %sign3A_13 = arith.subi %sign3A_9, %sign3A_12 : i32
    %ne3A = arith.cmpi ne, %sign3A_6, %sign3A_13 : i32
    %rem3A = arith.remsi %arg1, %jit3A : i32
    %ne3A_14 = arith.constant 0 : i32
    %ne3A_15 = arith.cmpi ne, %rem3A, %ne3A_14 : i32
    %and3A = arith.andi %ne3A, %ne3A_15 : i1
    %sub3A = arith.constant 1 : i32
    %sub3A_16 = arith.subi %div3A, %sub3A : i32
    %select_n3A = arith.select %and3A, %sub3A_16, %div3A : i32
    %add3A = arith.addi %mul3A_0, %select_n3A : i32
    %jit3A_17 = arith.constant 2 : i32
    %eq3A = arith.constant 0 : i32
    %eq3A_18 = arith.cmpi eq, %jit3A_17, %eq3A : i32
    %jit3A_19 = arith.constant 1 : i32
    %select_n3A_20 = arith.select %eq3A_18, %jit3A_19, %jit3A_17 : i32
    %rem3A_21 = arith.remsi %arg1, %select_n3A_20 : i32
    %ne3A_22 = arith.constant 0 : i32
    %ne3A_23 = arith.cmpi ne, %rem3A_21, %ne3A_22 : i32
    %lt3A = arith.constant 0 : i32
    %lt3A_24 = arith.cmpi slt, %rem3A_21, %lt3A : i32
    %lt3A_25 = arith.constant 0 : i32
    %lt3A_26 = arith.cmpi slt, %select_n3A_20, %lt3A_25 : i32
    %ne3A_27 = arith.xori %lt3A_24, %lt3A_26 : i1
    %and3A_28 = arith.andi %ne3A_27, %ne3A_23 : i1
    %add3A_29 = arith.addi %rem3A_21, %select_n3A_20 : i32
    %select_n3A_30 = arith.select %and3A_28, %add3A_29, %rem3A_21 : i32
    %mul3A_31 = arith.constant 262144 : i32
    %mul3A_32 = arith.muli %add3A, %mul3A_31 : i32
    %mul3A_33 = arith.constant 131072 : i32
    %mul3A_34 = arith.muli %select_n3A_30, %mul3A_33 : i32
    %add3A_35 = arith.addi %mul3A_32, %mul3A_34 : i32
    %iota3A = tpu.iota {dimensions = array<i32: 0>} : vector<16xi32>
    %scan3A = arith.constant 0 : i32
    %scan3A_36 = arith.constant 0 : i32
    %scan3A_37 = arith.constant 4096 : i32
    %scan3A_38 = arith.addi %scan3A_36, %scan3A_37 : i32
    %scan3A_39 = arith.constant 1 : i32
    scf.for %scan3A_116 = %scan3A_36 to %scan3A_38 step %scan3A_39  : i32 {
      %broadcast_in_dim3A_117 = arith.constant 0 : i32
      %broadcast_in_dim3A_118 = vector.broadcast %broadcast_in_dim3A_117 : i32 to vector<16xi32>
      %mul3A_119 = arith.constant 16 : i32
      %mul3A_120 = arith.muli %scan3A_116, %mul3A_119 : i32
      %swap3A_121 = arith.index_cast %mul3A_120 : i32 to index
      %swap3A_122 = tpu.vector_load %arg7[%swap3A_121] {strides = array<i32>} : memref<65536xi32, #tpu.memory_space<vmem>>, vector<16xi32>,
      tpu.vector_store %arg7[%swap3A_121], %broadcast_in_dim3A_118 {strides = array<i32>} : memref<65536xi32, #tpu.memory_space<vmem>>, vector<16xi32>,
    }
    %scan3A_40 = arith.constant 4096 : i32
    %eq3A_41 = arith.constant 0 : i32
    %eq3A_42 = arith.cmpi eq, %select_n3A_30, %eq3A_41 : i32
    %convert_element_type3A = arith.extui %eq3A_42 : i1 to i32
    %cond3A = arith.constant 0 : i32
    %cond3A_43 = arith.cmpi ne, %convert_element_type3A, %cond3A : i32
    scf.if %cond3A_43 {
      %scan3A_116 = arith.constant 0 : i32
      %scan3A_117 = arith.constant 0 : i32
      %scan3A_118 = arith.constant 64 : i32
      %scan3A_119 = arith.addi %scan3A_117, %scan3A_118 : i32
      %scan3A_120 = arith.constant 1 : i32
      scf.for %scan3A_122 = %scan3A_117 to %scan3A_119 step %scan3A_120  : i32 {
        %mul3A_123 = arith.constant 131072 : i32
        %mul3A_124 = arith.muli %add3A, %mul3A_123 : i32
        %mul3A_125 = arith.constant 2048 : i32
        %mul3A_126 = arith.muli %scan3A_122, %mul3A_125 : i32
        %add3A_127 = arith.addi %mul3A_124, %mul3A_126 : i32
        "tpu.region"() ({
          %run_scoped3A = tpu.sem_alloc : memref<!tpu.dma_semaphore, #tpu.memory_space<semaphore_mem>>
          %dma_start3A = tpu.memref_slice %arg2[%add3A_127] : memref<2097152xf32, #tpu.memory_space<hbm>> -> memref<2048xf32, #tpu.memory_space<hbm>>
          %dma_start3A_137 = tpu.memref_slice %arg2[%add3A_127] : memref<2097152xf32, #tpu.memory_space<hbm>> -> memref<2048xf32, #tpu.memory_space<hbm>>
          tpu.enqueue_dma source(%dma_start3A_137 : memref<2048xf32, #tpu.memory_space<hbm>>) target(%arg9 : memref<2048xf32, #tpu.memory_space<vmem>>) target_semaphore(%run_scoped3A : memref<!tpu.dma_semaphore, #tpu.memory_space<semaphore_mem>>)
          %dma_wait3A = tpu.memref_slice %arg2[%add3A_127] : memref<2097152xf32, #tpu.memory_space<hbm>> -> memref<2048xf32, #tpu.memory_space<hbm>>
          %dma_wait3A_138 = tpu.memref_slice %arg2[%add3A_127] : memref<2097152xf32, #tpu.memory_space<hbm>> -> memref<2048xf32, #tpu.memory_space<hbm>>
          tpu.wait_dma2 semaphore(%run_scoped3A : memref<!tpu.dma_semaphore, #tpu.memory_space<semaphore_mem>>) src(%dma_wait3A_138 : memref<2048xf32, #tpu.memory_space<hbm>>) dst(%arg9 : memref<2048xf32, #tpu.memory_space<vmem>>)
          tpu.yield
        }) : () -> ()
        %scan3A_128 = arith.constant 0 : i32
        %scan3A_129 = arith.constant 0 : i32
        %scan3A_130 = arith.constant 32 : i32
        %scan3A_131 = arith.addi %scan3A_129, %scan3A_130 : i32
        %scan3A_132 = arith.constant 1 : i32
        scf.for %scan3A_137 = %scan3A_129 to %scan3A_131 step %scan3A_132  : i32 {
          %mul3A_138 = arith.constant 4 : i32
          %mul3A_139 = arith.muli %scan3A_137, %mul3A_138 : i32
          %add3A_140 = arith.constant 0 : i32
          %add3A_141 = arith.addi %mul3A_139, %add3A_140 : i32
          %mul3A_142 = arith.constant 16 : i32
          %mul3A_143 = arith.muli %add3A_141, %mul3A_142 : i32
          %get3A = arith.index_cast %mul3A_143 : i32 to index
          %get3A_144 = tpu.vector_load %arg9[%get3A] {strides = array<i32>} : memref<2048xf32, #tpu.memory_space<vmem>>, vector<16xf32>,
          %bitcast_convert_type3A = tpu.bitcast %get3A_144 : vector<16xf32> -> vector<16xi32>
          %shift_right_logical3A = arith.constant 31 : i32
          %shift_right_logical3A_145 = vector.broadcast %shift_right_logical3A : i32 to vector<16xi32>
          %shift_right_logical3A_146 = arith.shrui %bitcast_convert_type3A, %shift_right_logical3A_145 : vector<16xi32>
          %ne3A_147 = arith.constant 0 : i32
          %ne3A_148 = vector.broadcast %ne3A_147 : i32 to vector<16xi32>
          %ne3A_149 = arith.cmpi ne, %shift_right_logical3A_146, %ne3A_148 : vector<16xi32>
          %not3A = arith.constant dense<-1> : vector<16xi32>
          %not3A_150 = arith.xori %bitcast_convert_type3A, %not3A : vector<16xi32>
          %or3A = arith.constant -2147483648 : i32
          %or3A_151 = vector.broadcast %or3A : i32 to vector<16xi32>
          %or3A_152 = arith.ori %bitcast_convert_type3A, %or3A_151 : vector<16xi32>
          %select_n3A_153 = arith.select %ne3A_149, %not3A_150, %or3A_152 : vector<16xi1>, vector<16xi32>
          %and3A_154 = arith.constant -2 : i32
          %and3A_155 = vector.broadcast %and3A_154 : i32 to vector<16xi32>
          %and3A_156 = arith.andi %select_n3A_153, %and3A_155 : vector<16xi32>
          %or3A_157 = vector.broadcast %select_n3A_30 : i32 to vector<16xi32>
          %or3A_158 = arith.ori %and3A_156, %or3A_157 : vector<16xi32>
          %swap3A_159 = arith.index_cast %mul3A_143 : i32 to index
          %swap3A_160 = tpu.vector_load %arg10[%swap3A_159] {strides = array<i32>} : memref<2048xi32, #tpu.memory_space<vmem>>, vector<16xi32>,
          tpu.vector_store %arg10[%swap3A_159], %or3A_158 {strides = array<i32>} : memref<2048xi32, #tpu.memory_space<vmem>>, vector<16xi32>,
          %and3A_161 = arith.constant 65535 : i32
          %and3A_162 = vector.broadcast %and3A_161 : i32 to vector<16xi32>
          %and3A_163 = arith.andi %or3A_158, %and3A_162 : vector<16xi32>
          %broadcast_in_dim3A_164 = arith.constant true
          %broadcast_in_dim3A_165 = vector.broadcast %broadcast_in_dim3A_164 : i1 to vector<16xi1>
          %unique3A, %unique3A_166 = tpu.scan_count mask(%broadcast_in_dim3A_165 : vector<16xi1>) value(%and3A_163 : vector<16xi32>) : vector<16xi1>, vector<16xi32>
          tpu.vector_store_idx %arg7[%and3A_163], %unique3A_166 masked %unique3A {add = true} : memref<65536xi32, #tpu.memory_space<vmem>>[vector<16xi32>], vector<16xi32>, vector<16xi1>
          %mul3A_167 = arith.constant 4 : i32
          %mul3A_168 = arith.muli %scan3A_137, %mul3A_167 : i32
          %add3A_169 = arith.constant 1 : i32
          %add3A_170 = arith.addi %mul3A_168, %add3A_169 : i32
          %mul3A_171 = arith.constant 16 : i32
          %mul3A_172 = arith.muli %add3A_170, %mul3A_171 : i32
          %get3A_173 = arith.index_cast %mul3A_172 : i32 to index
          %get3A_174 = tpu.vector_load %arg9[%get3A_173] {strides = array<i32>} : memref<2048xf32, #tpu.memory_space<vmem>>, vector<16xf32>,
          %bitcast_convert_type3A_175 = tpu.bitcast %get3A_174 : vector<16xf32> -> vector<16xi32>
          %shift_right_logical3A_176 = arith.constant 31 : i32
          %shift_right_logical3A_177 = vector.broadcast %shift_right_logical3A_176 : i32 to vector<16xi32>
          %shift_right_logical3A_178 = arith.shrui %bitcast_convert_type3A_175, %shift_right_logical3A_177 : vector<16xi32>
          %ne3A_179 = arith.constant 0 : i32
          %ne3A_180 = vector.broadcast %ne3A_179 : i32 to vector<16xi32>
          %ne3A_181 = arith.cmpi ne, %shift_right_logical3A_178, %ne3A_180 : vector<16xi32>
          %not3A_182 = arith.constant dense<-1> : vector<16xi32>
          %not3A_183 = arith.xori %bitcast_convert_type3A_175, %not3A_182 : vector<16xi32>
          %or3A_184 = arith.constant -2147483648 : i32
          %or3A_185 = vector.broadcast %or3A_184 : i32 to vector<16xi32>
          %or3A_186 = arith.ori %bitcast_convert_type3A_175, %or3A_185 : vector<16xi32>
          %select_n3A_187 = arith.select %ne3A_181, %not3A_183, %or3A_186 : vector<16xi1>, vector<16xi32>
          %and3A_188 = arith.constant -2 : i32
          %and3A_189 = vector.broadcast %and3A_188 : i32 to vector<16xi32>
          %and3A_190 = arith.andi %select_n3A_187, %and3A_189 : vector<16xi32>
          %or3A_191 = vector.broadcast %select_n3A_30 : i32 to vector<16xi32>
          %or3A_192 = arith.ori %and3A_190, %or3A_191 : vector<16xi32>
          %swap3A_193 = arith.index_cast %mul3A_172 : i32 to index
          %swap3A_194 = tpu.vector_load %arg10[%swap3A_193] {strides = array<i32>} : memref<2048xi32, #tpu.memory_space<vmem>>, vector<16xi32>,
          tpu.vector_store %arg10[%swap3A_193], %or3A_192 {strides = array<i32>} : memref<2048xi32, #tpu.memory_space<vmem>>, vector<16xi32>,
          %and3A_195 = arith.constant 65535 : i32
          %and3A_196 = vector.broadcast %and3A_195 : i32 to vector<16xi32>
          %and3A_197 = arith.andi %or3A_192, %and3A_196 : vector<16xi32>
          %broadcast_in_dim3A_198 = arith.constant true
          %broadcast_in_dim3A_199 = vector.broadcast %broadcast_in_dim3A_198 : i1 to vector<16xi1>
          %unique3A_200, %unique3A_201 = tpu.scan_count mask(%broadcast_in_dim3A_199 : vector<16xi1>) value(%and3A_197 : vector<16xi32>) : vector<16xi1>, vector<16xi32>
          tpu.vector_store_idx %arg7[%and3A_197], %unique3A_201 masked %unique3A_200 {add = true} : memref<65536xi32, #tpu.memory_space<vmem>>[vector<16xi32>], vector<16xi32>, vector<16xi1>
          %mul3A_202 = arith.constant 4 : i32
          %mul3A_203 = arith.muli %scan3A_137, %mul3A_202 : i32
          %add3A_204 = arith.constant 2 : i32
          %add3A_205 = arith.addi %mul3A_203, %add3A_204 : i32
          %mul3A_206 = arith.constant 16 : i32
          %mul3A_207 = arith.muli %add3A_205, %mul3A_206 : i32
          %get3A_208 = arith.index_cast %mul3A_207 : i32 to index
          %get3A_209 = tpu.vector_load %arg9[%get3A_208] {strides = array<i32>} : memref<2048xf32, #tpu.memory_space<vmem>>, vector<16xf32>,
          %bitcast_convert_type3A_210 = tpu.bitcast %get3A_209 : vector<16xf32> -> vector<16xi32>
          %shift_right_logical3A_211 = arith.constant 31 : i32
          %shift_right_logical3A_212 = vector.broadcast %shift_right_logical3A_211 : i32 to vector<16xi32>
          %shift_right_logical3A_213 = arith.shrui %bitcast_convert_type3A_210, %shift_right_logical3A_212 : vector<16xi32>
          %ne3A_214 = arith.constant 0 : i32
          %ne3A_215 = vector.broadcast %ne3A_214 : i32 to vector<16xi32>
          %ne3A_216 = arith.cmpi ne, %shift_right_logical3A_213, %ne3A_215 : vector<16xi32>
          %not3A_217 = arith.constant dense<-1> : vector<16xi32>
          %not3A_218 = arith.xori %bitcast_convert_type3A_210, %not3A_217 : vector<16xi32>
          %or3A_219 = arith.constant -2147483648 : i32
          %or3A_220 = vector.broadcast %or3A_219 : i32 to vector<16xi32>
          %or3A_221 = arith.ori %bitcast_convert_type3A_210, %or3A_220 : vector<16xi32>
          %select_n3A_222 = arith.select %ne3A_216, %not3A_218, %or3A_221 : vector<16xi1>, vector<16xi32>
          %and3A_223 = arith.constant -2 : i32
          %and3A_224 = vector.broadcast %and3A_223 : i32 to vector<16xi32>
          %and3A_225 = arith.andi %select_n3A_222, %and3A_224 : vector<16xi32>
          %or3A_226 = vector.broadcast %select_n3A_30 : i32 to vector<16xi32>
          %or3A_227 = arith.ori %and3A_225, %or3A_226 : vector<16xi32>
          %swap3A_228 = arith.index_cast %mul3A_207 : i32 to index
          %swap3A_229 = tpu.vector_load %arg10[%swap3A_228] {strides = array<i32>} : memref<2048xi32, #tpu.memory_space<vmem>>, vector<16xi32>,
          tpu.vector_store %arg10[%swap3A_228], %or3A_227 {strides = array<i32>} : memref<2048xi32, #tpu.memory_space<vmem>>, vector<16xi32>,
          %and3A_230 = arith.constant 65535 : i32
          %and3A_231 = vector.broadcast %and3A_230 : i32 to vector<16xi32>
          %and3A_232 = arith.andi %or3A_227, %and3A_231 : vector<16xi32>
          %broadcast_in_dim3A_233 = arith.constant true
          %broadcast_in_dim3A_234 = vector.broadcast %broadcast_in_dim3A_233 : i1 to vector<16xi1>
          %unique3A_235, %unique3A_236 = tpu.scan_count mask(%broadcast_in_dim3A_234 : vector<16xi1>) value(%and3A_232 : vector<16xi32>) : vector<16xi1>, vector<16xi32>
          tpu.vector_store_idx %arg7[%and3A_232], %unique3A_236 masked %unique3A_235 {add = true} : memref<65536xi32, #tpu.memory_space<vmem>>[vector<16xi32>], vector<16xi32>, vector<16xi1>
          %mul3A_237 = arith.constant 4 : i32
          %mul3A_238 = arith.muli %scan3A_137, %mul3A_237 : i32
          %add3A_239 = arith.constant 3 : i32
          %add3A_240 = arith.addi %mul3A_238, %add3A_239 : i32
          %mul3A_241 = arith.constant 16 : i32
          %mul3A_242 = arith.muli %add3A_240, %mul3A_241 : i32
          %get3A_243 = arith.index_cast %mul3A_242 : i32 to index
          %get3A_244 = tpu.vector_load %arg9[%get3A_243] {strides = array<i32>} : memref<2048xf32, #tpu.memory_space<vmem>>, vector<16xf32>,
          %bitcast_convert_type3A_245 = tpu.bitcast %get3A_244 : vector<16xf32> -> vector<16xi32>
          %shift_right_logical3A_246 = arith.constant 31 : i32
          %shift_right_logical3A_247 = vector.broadcast %shift_right_logical3A_246 : i32 to vector<16xi32>
          %shift_right_logical3A_248 = arith.shrui %bitcast_convert_type3A_245, %shift_right_logical3A_247 : vector<16xi32>
          %ne3A_249 = arith.constant 0 : i32
          %ne3A_250 = vector.broadcast %ne3A_249 : i32 to vector<16xi32>
          %ne3A_251 = arith.cmpi ne, %shift_right_logical3A_248, %ne3A_250 : vector<16xi32>
          %not3A_252 = arith.constant dense<-1> : vector<16xi32>
          %not3A_253 = arith.xori %bitcast_convert_type3A_245, %not3A_252 : vector<16xi32>
          %or3A_254 = arith.constant -2147483648 : i32
          %or3A_255 = vector.broadcast %or3A_254 : i32 to vector<16xi32>
          %or3A_256 = arith.ori %bitcast_convert_type3A_245, %or3A_255 : vector<16xi32>
          %select_n3A_257 = arith.select %ne3A_251, %not3A_253, %or3A_256 : vector<16xi1>, vector<16xi32>
          %and3A_258 = arith.constant -2 : i32
          %and3A_259 = vector.broadcast %and3A_258 : i32 to vector<16xi32>
          %and3A_260 = arith.andi %select_n3A_257, %and3A_259 : vector<16xi32>
          %or3A_261 = vector.broadcast %select_n3A_30 : i32 to vector<16xi32>
          %or3A_262 = arith.ori %and3A_260, %or3A_261 : vector<16xi32>
          %swap3A_263 = arith.index_cast %mul3A_242 : i32 to index
          %swap3A_264 = tpu.vector_load %arg10[%swap3A_263] {strides = array<i32>} : memref<2048xi32, #tpu.memory_space<vmem>>, vector<16xi32>,
          tpu.vector_store %arg10[%swap3A_263], %or3A_262 {strides = array<i32>} : memref<2048xi32, #tpu.memory_space<vmem>>, vector<16xi32>,
          %and3A_265 = arith.constant 65535 : i32
          %and3A_266 = vector.broadcast %and3A_265 : i32 to vector<16xi32>
          %and3A_267 = arith.andi %or3A_262, %and3A_266 : vector<16xi32>
          %broadcast_in_dim3A_268 = arith.constant true
          %broadcast_in_dim3A_269 = vector.broadcast %broadcast_in_dim3A_268 : i1 to vector<16xi1>
          %unique3A_270, %unique3A_271 = tpu.scan_count mask(%broadcast_in_dim3A_269 : vector<16xi1>) value(%and3A_267 : vector<16xi32>) : vector<16xi1>, vector<16xi32>
          tpu.vector_store_idx %arg7[%and3A_267], %unique3A_271 masked %unique3A_270 {add = true} : memref<65536xi32, #tpu.memory_space<vmem>>[vector<16xi32>], vector<16xi32>, vector<16xi1>
        }
        %scan3A_133 = arith.constant 32 : i32
        %mul3A_134 = arith.constant 2048 : i32
        %mul3A_135 = arith.muli %scan3A_122, %mul3A_134 : i32
        %add3A_136 = arith.addi %add3A_35, %mul3A_135 : i32
        "tpu.region"() ({
          %run_scoped3A = tpu.sem_alloc : memref<!tpu.dma_semaphore, #tpu.memory_space<semaphore_mem>>
          %dma_start3A = tpu.memref_slice %arg6[%add3A_136] : memref<4194304xi32, #tpu.memory_space<hbm>> -> memref<2048xi32, #tpu.memory_space<hbm>>
          %dma_start3A_137 = tpu.memref_slice %arg6[%add3A_136] : memref<4194304xi32, #tpu.memory_space<hbm>> -> memref<2048xi32, #tpu.memory_space<hbm>>
          tpu.enqueue_dma source(%arg10 : memref<2048xi32, #tpu.memory_space<vmem>>) target(%dma_start3A_137 : memref<2048xi32, #tpu.memory_space<hbm>>) target_semaphore(%run_scoped3A : memref<!tpu.dma_semaphore, #tpu.memory_space<semaphore_mem>>)
          %dma_wait3A = tpu.memref_slice %arg6[%add3A_136] : memref<4194304xi32, #tpu.memory_space<hbm>> -> memref<2048xi32, #tpu.memory_space<hbm>>
          %dma_wait3A_138 = tpu.memref_slice %arg6[%add3A_136] : memref<4194304xi32, #tpu.memory_space<hbm>> -> memref<2048xi32, #tpu.memory_space<hbm>>
          tpu.wait_dma2 semaphore(%run_scoped3A : memref<!tpu.dma_semaphore, #tpu.memory_space<semaphore_mem>>) src(%arg10 : memref<2048xi32, #tpu.memory_space<vmem>>) dst(%dma_wait3A_138 : memref<2048xi32, #tpu.memory_space<hbm>>)
          tpu.yield
        }) : () -> ()
      }
      %scan3A_121 = arith.constant 64 : i32
    } else {
    }
    %eq3A_44 = arith.constant 1 : i32
    %eq3A_45 = arith.cmpi eq, %select_n3A_30, %eq3A_44 : i32
    %convert_element_type3A_46 = arith.extui %eq3A_45 : i1 to i32
    %cond3A_47 = arith.constant 0 : i32
    %cond3A_48 = arith.cmpi ne, %convert_element_type3A_46, %cond3A_47 : i32
    scf.if %cond3A_48 {
      %scan3A_116 = arith.constant 0 : i32
      %scan3A_117 = arith.constant 0 : i32
      %scan3A_118 = arith.constant 64 : i32
      %scan3A_119 = arith.addi %scan3A_117, %scan3A_118 : i32
      %scan3A_120 = arith.constant 1 : i32
      scf.for %scan3A_122 = %scan3A_117 to %scan3A_119 step %scan3A_120  : i32 {
        %mul3A_123 = arith.constant 131072 : i32
        %mul3A_124 = arith.muli %add3A, %mul3A_123 : i32
        %mul3A_125 = arith.constant 2048 : i32
        %mul3A_126 = arith.muli %scan3A_122, %mul3A_125 : i32
        %add3A_127 = arith.addi %mul3A_124, %mul3A_126 : i32
        "tpu.region"() ({
          %run_scoped3A = tpu.sem_alloc : memref<!tpu.dma_semaphore, #tpu.memory_space<semaphore_mem>>
          %dma_start3A = tpu.memref_slice %arg3[%add3A_127] : memref<2097152xf32, #tpu.memory_space<hbm>> -> memref<2048xf32, #tpu.memory_space<hbm>>
          %dma_start3A_137 = tpu.memref_slice %arg3[%add3A_127] : memref<2097152xf32, #tpu.memory_space<hbm>> -> memref<2048xf32, #tpu.memory_space<hbm>>
          tpu.enqueue_dma source(%dma_start3A_137 : memref<2048xf32, #tpu.memory_space<hbm>>) target(%arg9 : memref<2048xf32, #tpu.memory_space<vmem>>) target_semaphore(%run_scoped3A : memref<!tpu.dma_semaphore, #tpu.memory_space<semaphore_mem>>)
          %dma_wait3A = tpu.memref_slice %arg3[%add3A_127] : memref<2097152xf32, #tpu.memory_space<hbm>> -> memref<2048xf32, #tpu.memory_space<hbm>>
          %dma_wait3A_138 = tpu.memref_slice %arg3[%add3A_127] : memref<2097152xf32, #tpu.memory_space<hbm>> -> memref<2048xf32, #tpu.memory_space<hbm>>
          tpu.wait_dma2 semaphore(%run_scoped3A : memref<!tpu.dma_semaphore, #tpu.memory_space<semaphore_mem>>) src(%dma_wait3A_138 : memref<2048xf32, #tpu.memory_space<hbm>>) dst(%arg9 : memref<2048xf32, #tpu.memory_space<vmem>>)
          tpu.yield
        }) : () -> ()
        %scan3A_128 = arith.constant 0 : i32
        %scan3A_129 = arith.constant 0 : i32
        %scan3A_130 = arith.constant 32 : i32
        %scan3A_131 = arith.addi %scan3A_129, %scan3A_130 : i32
        %scan3A_132 = arith.constant 1 : i32
        scf.for %scan3A_137 = %scan3A_129 to %scan3A_131 step %scan3A_132  : i32 {
          %mul3A_138 = arith.constant 4 : i32
          %mul3A_139 = arith.muli %scan3A_137, %mul3A_138 : i32
          %add3A_140 = arith.constant 0 : i32
          %add3A_141 = arith.addi %mul3A_139, %add3A_140 : i32
          %mul3A_142 = arith.constant 16 : i32
          %mul3A_143 = arith.muli %add3A_141, %mul3A_142 : i32
          %get3A = arith.index_cast %mul3A_143 : i32 to index
          %get3A_144 = tpu.vector_load %arg9[%get3A] {strides = array<i32>} : memref<2048xf32, #tpu.memory_space<vmem>>, vector<16xf32>,
          %bitcast_convert_type3A = tpu.bitcast %get3A_144 : vector<16xf32> -> vector<16xi32>
          %shift_right_logical3A = arith.constant 31 : i32
          %shift_right_logical3A_145 = vector.broadcast %shift_right_logical3A : i32 to vector<16xi32>
          %shift_right_logical3A_146 = arith.shrui %bitcast_convert_type3A, %shift_right_logical3A_145 : vector<16xi32>
          %ne3A_147 = arith.constant 0 : i32
          %ne3A_148 = vector.broadcast %ne3A_147 : i32 to vector<16xi32>
          %ne3A_149 = arith.cmpi ne, %shift_right_logical3A_146, %ne3A_148 : vector<16xi32>
          %not3A = arith.constant dense<-1> : vector<16xi32>
          %not3A_150 = arith.xori %bitcast_convert_type3A, %not3A : vector<16xi32>
          %or3A = arith.constant -2147483648 : i32
          %or3A_151 = vector.broadcast %or3A : i32 to vector<16xi32>
          %or3A_152 = arith.ori %bitcast_convert_type3A, %or3A_151 : vector<16xi32>
          %select_n3A_153 = arith.select %ne3A_149, %not3A_150, %or3A_152 : vector<16xi1>, vector<16xi32>
          %and3A_154 = arith.constant -2 : i32
          %and3A_155 = vector.broadcast %and3A_154 : i32 to vector<16xi32>
          %and3A_156 = arith.andi %select_n3A_153, %and3A_155 : vector<16xi32>
          %or3A_157 = vector.broadcast %select_n3A_30 : i32 to vector<16xi32>
          %or3A_158 = arith.ori %and3A_156, %or3A_157 : vector<16xi32>
          %swap3A_159 = arith.index_cast %mul3A_143 : i32 to index
          %swap3A_160 = tpu.vector_load %arg10[%swap3A_159] {strides = array<i32>} : memref<2048xi32, #tpu.memory_space<vmem>>, vector<16xi32>,
          tpu.vector_store %arg10[%swap3A_159], %or3A_158 {strides = array<i32>} : memref<2048xi32, #tpu.memory_space<vmem>>, vector<16xi32>,
          %and3A_161 = arith.constant 65535 : i32
          %and3A_162 = vector.broadcast %and3A_161 : i32 to vector<16xi32>
          %and3A_163 = arith.andi %or3A_158, %and3A_162 : vector<16xi32>
          %broadcast_in_dim3A_164 = arith.constant true
          %broadcast_in_dim3A_165 = vector.broadcast %broadcast_in_dim3A_164 : i1 to vector<16xi1>
          %unique3A, %unique3A_166 = tpu.scan_count mask(%broadcast_in_dim3A_165 : vector<16xi1>) value(%and3A_163 : vector<16xi32>) : vector<16xi1>, vector<16xi32>
          tpu.vector_store_idx %arg7[%and3A_163], %unique3A_166 masked %unique3A {add = true} : memref<65536xi32, #tpu.memory_space<vmem>>[vector<16xi32>], vector<16xi32>, vector<16xi1>
          %mul3A_167 = arith.constant 4 : i32
          %mul3A_168 = arith.muli %scan3A_137, %mul3A_167 : i32
          %add3A_169 = arith.constant 1 : i32
          %add3A_170 = arith.addi %mul3A_168, %add3A_169 : i32
          %mul3A_171 = arith.constant 16 : i32
          %mul3A_172 = arith.muli %add3A_170, %mul3A_171 : i32
          %get3A_173 = arith.index_cast %mul3A_172 : i32 to index
          %get3A_174 = tpu.vector_load %arg9[%get3A_173] {strides = array<i32>} : memref<2048xf32, #tpu.memory_space<vmem>>, vector<16xf32>,
          %bitcast_convert_type3A_175 = tpu.bitcast %get3A_174 : vector<16xf32> -> vector<16xi32>
          %shift_right_logical3A_176 = arith.constant 31 : i32
          %shift_right_logical3A_177 = vector.broadcast %shift_right_logical3A_176 : i32 to vector<16xi32>
          %shift_right_logical3A_178 = arith.shrui %bitcast_convert_type3A_175, %shift_right_logical3A_177 : vector<16xi32>
          %ne3A_179 = arith.constant 0 : i32
          %ne3A_180 = vector.broadcast %ne3A_179 : i32 to vector<16xi32>
          %ne3A_181 = arith.cmpi ne, %shift_right_logical3A_178, %ne3A_180 : vector<16xi32>
          %not3A_182 = arith.constant dense<-1> : vector<16xi32>
          %not3A_183 = arith.xori %bitcast_convert_type3A_175, %not3A_182 : vector<16xi32>
          %or3A_184 = arith.constant -2147483648 : i32
          %or3A_185 = vector.broadcast %or3A_184 : i32 to vector<16xi32>
          %or3A_186 = arith.ori %bitcast_convert_type3A_175, %or3A_185 : vector<16xi32>
          %select_n3A_187 = arith.select %ne3A_181, %not3A_183, %or3A_186 : vector<16xi1>, vector<16xi32>
          %and3A_188 = arith.constant -2 : i32
          %and3A_189 = vector.broadcast %and3A_188 : i32 to vector<16xi32>
          %and3A_190 = arith.andi %select_n3A_187, %and3A_189 : vector<16xi32>
          %or3A_191 = vector.broadcast %select_n3A_30 : i32 to vector<16xi32>
          %or3A_192 = arith.ori %and3A_190, %or3A_191 : vector<16xi32>
          %swap3A_193 = arith.index_cast %mul3A_172 : i32 to index
          %swap3A_194 = tpu.vector_load %arg10[%swap3A_193] {strides = array<i32>} : memref<2048xi32, #tpu.memory_space<vmem>>, vector<16xi32>,
          tpu.vector_store %arg10[%swap3A_193], %or3A_192 {strides = array<i32>} : memref<2048xi32, #tpu.memory_space<vmem>>, vector<16xi32>,
          %and3A_195 = arith.constant 65535 : i32
          %and3A_196 = vector.broadcast %and3A_195 : i32 to vector<16xi32>
          %and3A_197 = arith.andi %or3A_192, %and3A_196 : vector<16xi32>
          %broadcast_in_dim3A_198 = arith.constant true
          %broadcast_in_dim3A_199 = vector.broadcast %broadcast_in_dim3A_198 : i1 to vector<16xi1>
          %unique3A_200, %unique3A_201 = tpu.scan_count mask(%broadcast_in_dim3A_199 : vector<16xi1>) value(%and3A_197 : vector<16xi32>) : vector<16xi1>, vector<16xi32>
          tpu.vector_store_idx %arg7[%and3A_197], %unique3A_201 masked %unique3A_200 {add = true} : memref<65536xi32, #tpu.memory_space<vmem>>[vector<16xi32>], vector<16xi32>, vector<16xi1>
          %mul3A_202 = arith.constant 4 : i32
          %mul3A_203 = arith.muli %scan3A_137, %mul3A_202 : i32
          %add3A_204 = arith.constant 2 : i32
          %add3A_205 = arith.addi %mul3A_203, %add3A_204 : i32
          %mul3A_206 = arith.constant 16 : i32
          %mul3A_207 = arith.muli %add3A_205, %mul3A_206 : i32
          %get3A_208 = arith.index_cast %mul3A_207 : i32 to index
          %get3A_209 = tpu.vector_load %arg9[%get3A_208] {strides = array<i32>} : memref<2048xf32, #tpu.memory_space<vmem>>, vector<16xf32>,
          %bitcast_convert_type3A_210 = tpu.bitcast %get3A_209 : vector<16xf32> -> vector<16xi32>
          %shift_right_logical3A_211 = arith.constant 31 : i32
          %shift_right_logical3A_212 = vector.broadcast %shift_right_logical3A_211 : i32 to vector<16xi32>
          %shift_right_logical3A_213 = arith.shrui %bitcast_convert_type3A_210, %shift_right_logical3A_212 : vector<16xi32>
          %ne3A_214 = arith.constant 0 : i32
          %ne3A_215 = vector.broadcast %ne3A_214 : i32 to vector<16xi32>
          %ne3A_216 = arith.cmpi ne, %shift_right_logical3A_213, %ne3A_215 : vector<16xi32>
          %not3A_217 = arith.constant dense<-1> : vector<16xi32>
          %not3A_218 = arith.xori %bitcast_convert_type3A_210, %not3A_217 : vector<16xi32>
          %or3A_219 = arith.constant -2147483648 : i32
          %or3A_220 = vector.broadcast %or3A_219 : i32 to vector<16xi32>
          %or3A_221 = arith.ori %bitcast_convert_type3A_210, %or3A_220 : vector<16xi32>
          %select_n3A_222 = arith.select %ne3A_216, %not3A_218, %or3A_221 : vector<16xi1>, vector<16xi32>
          %and3A_223 = arith.constant -2 : i32
          %and3A_224 = vector.broadcast %and3A_223 : i32 to vector<16xi32>
          %and3A_225 = arith.andi %select_n3A_222, %and3A_224 : vector<16xi32>
          %or3A_226 = vector.broadcast %select_n3A_30 : i32 to vector<16xi32>
          %or3A_227 = arith.ori %and3A_225, %or3A_226 : vector<16xi32>
          %swap3A_228 = arith.index_cast %mul3A_207 : i32 to index
          %swap3A_229 = tpu.vector_load %arg10[%swap3A_228] {strides = array<i32>} : memref<2048xi32, #tpu.memory_space<vmem>>, vector<16xi32>,
          tpu.vector_store %arg10[%swap3A_228], %or3A_227 {strides = array<i32>} : memref<2048xi32, #tpu.memory_space<vmem>>, vector<16xi32>,
          %and3A_230 = arith.constant 65535 : i32
          %and3A_231 = vector.broadcast %and3A_230 : i32 to vector<16xi32>
          %and3A_232 = arith.andi %or3A_227, %and3A_231 : vector<16xi32>
          %broadcast_in_dim3A_233 = arith.constant true
          %broadcast_in_dim3A_234 = vector.broadcast %broadcast_in_dim3A_233 : i1 to vector<16xi1>
          %unique3A_235, %unique3A_236 = tpu.scan_count mask(%broadcast_in_dim3A_234 : vector<16xi1>) value(%and3A_232 : vector<16xi32>) : vector<16xi1>, vector<16xi32>
          tpu.vector_store_idx %arg7[%and3A_232], %unique3A_236 masked %unique3A_235 {add = true} : memref<65536xi32, #tpu.memory_space<vmem>>[vector<16xi32>], vector<16xi32>, vector<16xi1>
          %mul3A_237 = arith.constant 4 : i32
          %mul3A_238 = arith.muli %scan3A_137, %mul3A_237 : i32
          %add3A_239 = arith.constant 3 : i32
          %add3A_240 = arith.addi %mul3A_238, %add3A_239 : i32
          %mul3A_241 = arith.constant 16 : i32
          %mul3A_242 = arith.muli %add3A_240, %mul3A_241 : i32
          %get3A_243 = arith.index_cast %mul3A_242 : i32 to index
          %get3A_244 = tpu.vector_load %arg9[%get3A_243] {strides = array<i32>} : memref<2048xf32, #tpu.memory_space<vmem>>, vector<16xf32>,
          %bitcast_convert_type3A_245 = tpu.bitcast %get3A_244 : vector<16xf32> -> vector<16xi32>
          %shift_right_logical3A_246 = arith.constant 31 : i32
          %shift_right_logical3A_247 = vector.broadcast %shift_right_logical3A_246 : i32 to vector<16xi32>
          %shift_right_logical3A_248 = arith.shrui %bitcast_convert_type3A_245, %shift_right_logical3A_247 : vector<16xi32>
          %ne3A_249 = arith.constant 0 : i32
          %ne3A_250 = vector.broadcast %ne3A_249 : i32 to vector<16xi32>
          %ne3A_251 = arith.cmpi ne, %shift_right_logical3A_248, %ne3A_250 : vector<16xi32>
          %not3A_252 = arith.constant dense<-1> : vector<16xi32>
          %not3A_253 = arith.xori %bitcast_convert_type3A_245, %not3A_252 : vector<16xi32>
          %or3A_254 = arith.constant -2147483648 : i32
          %or3A_255 = vector.broadcast %or3A_254 : i32 to vector<16xi32>
          %or3A_256 = arith.ori %bitcast_convert_type3A_245, %or3A_255 : vector<16xi32>
          %select_n3A_257 = arith.select %ne3A_251, %not3A_253, %or3A_256 : vector<16xi1>, vector<16xi32>
          %and3A_258 = arith.constant -2 : i32
          %and3A_259 = vector.broadcast %and3A_258 : i32 to vector<16xi32>
          %and3A_260 = arith.andi %select_n3A_257, %and3A_259 : vector<16xi32>
          %or3A_261 = vector.broadcast %select_n3A_30 : i32 to vector<16xi32>
          %or3A_262 = arith.ori %and3A_260, %or3A_261 : vector<16xi32>
          %swap3A_263 = arith.index_cast %mul3A_242 : i32 to index
          %swap3A_264 = tpu.vector_load %arg10[%swap3A_263] {strides = array<i32>} : memref<2048xi32, #tpu.memory_space<vmem>>, vector<16xi32>,
          tpu.vector_store %arg10[%swap3A_263], %or3A_262 {strides = array<i32>} : memref<2048xi32, #tpu.memory_space<vmem>>, vector<16xi32>,
          %and3A_265 = arith.constant 65535 : i32
          %and3A_266 = vector.broadcast %and3A_265 : i32 to vector<16xi32>
          %and3A_267 = arith.andi %or3A_262, %and3A_266 : vector<16xi32>
          %broadcast_in_dim3A_268 = arith.constant true
          %broadcast_in_dim3A_269 = vector.broadcast %broadcast_in_dim3A_268 : i1 to vector<16xi1>
          %unique3A_270, %unique3A_271 = tpu.scan_count mask(%broadcast_in_dim3A_269 : vector<16xi1>) value(%and3A_267 : vector<16xi32>) : vector<16xi1>, vector<16xi32>
          tpu.vector_store_idx %arg7[%and3A_267], %unique3A_271 masked %unique3A_270 {add = true} : memref<65536xi32, #tpu.memory_space<vmem>>[vector<16xi32>], vector<16xi32>, vector<16xi1>
        }
        %scan3A_133 = arith.constant 32 : i32
        %mul3A_134 = arith.constant 2048 : i32
        %mul3A_135 = arith.muli %scan3A_122, %mul3A_134 : i32
        %add3A_136 = arith.addi %add3A_35, %mul3A_135 : i32
        "tpu.region"() ({
          %run_scoped3A = tpu.sem_alloc : memref<!tpu.dma_semaphore, #tpu.memory_space<semaphore_mem>>
          %dma_start3A = tpu.memref_slice %arg6[%add3A_136] : memref<4194304xi32, #tpu.memory_space<hbm>> -> memref<2048xi32, #tpu.memory_space<hbm>>
          %dma_start3A_137 = tpu.memref_slice %arg6[%add3A_136] : memref<4194304xi32, #tpu.memory_space<hbm>> -> memref<2048xi32, #tpu.memory_space<hbm>>
          tpu.enqueue_dma source(%arg10 : memref<2048xi32, #tpu.memory_space<vmem>>) target(%dma_start3A_137 : memref<2048xi32, #tpu.memory_space<hbm>>) target_semaphore(%run_scoped3A : memref<!tpu.dma_semaphore, #tpu.memory_space<semaphore_mem>>)
          %dma_wait3A = tpu.memref_slice %arg6[%add3A_136] : memref<4194304xi32, #tpu.memory_space<hbm>> -> memref<2048xi32, #tpu.memory_space<hbm>>
          %dma_wait3A_138 = tpu.memref_slice %arg6[%add3A_136] : memref<4194304xi32, #tpu.memory_space<hbm>> -> memref<2048xi32, #tpu.memory_space<hbm>>
          tpu.wait_dma2 semaphore(%run_scoped3A : memref<!tpu.dma_semaphore, #tpu.memory_space<semaphore_mem>>) src(%arg10 : memref<2048xi32, #tpu.memory_space<vmem>>) dst(%dma_wait3A_138 : memref<2048xi32, #tpu.memory_space<hbm>>)
          tpu.yield
        }) : () -> ()
      }
      %scan3A_121 = arith.constant 64 : i32
    } else {
    }
    %xor3A = arith.constant 1 : i32
    %xor3A_49 = arith.xori %arg1, %xor3A : i32
    %scan3A_50 = arith.constant 0 : i32
    %scan3A_51 = arith.constant 8 : i32
    %scan3A_52 = arith.addi %scan3A_50, %scan3A_51 : i32
    %scan3A_53 = arith.constant 1 : i32
    %scan3A_54 = scf.for %scan3A_116 = %scan3A_50 to %scan3A_52 step %scan3A_53 iter_args(%scan3A_117 = %mul3A_32) -> (i32)  : i32 {
      %mul3A_118 = arith.constant 8192 : i32
      %mul3A_119 = arith.muli %scan3A_116, %mul3A_118 : i32
      "tpu.region"() ({
        %run_scoped3A = tpu.sem_alloc : memref<!tpu.dma_semaphore, #tpu.memory_space<semaphore_mem>>
        %dma_start3A = tpu.memref_slice %arg7[%mul3A_119] : memref<65536xi32, #tpu.memory_space<vmem>> -> memref<8192xi32, #tpu.memory_space<vmem>>
        %dma_start3A_128 = arith.constant 0 : i32
        %dma_start3A_129 = tpu.memref_slice %arg12[%arg1, %dma_start3A_128] : memref<16x8192xi32, #tpu.memory_space<vmem_shared>> -> memref<1x8192xi32, #tpu.memory_space<vmem_shared>>
        %dma_start3A_130 = tpu.memref_squeeze %dma_start3A_129 : memref<1x8192xi32, #tpu.memory_space<vmem_shared>> -> memref<8192xi32, #tpu.memory_space<vmem_shared>>
        %dma_start3A_131 = arith.constant 0 : i32
        %dma_start3A_132 = tpu.memref_slice %arg12[%arg1, %dma_start3A_131] : memref<16x8192xi32, #tpu.memory_space<vmem_shared>> -> memref<1x8192xi32, #tpu.memory_space<vmem_shared>>
        %dma_start3A_133 = tpu.memref_squeeze %dma_start3A_132 : memref<1x8192xi32, #tpu.memory_space<vmem_shared>> -> memref<8192xi32, #tpu.memory_space<vmem_shared>>
        %dma_start3A_134 = tpu.memref_slice %arg7[%mul3A_119] : memref<65536xi32, #tpu.memory_space<vmem>> -> memref<8192xi32, #tpu.memory_space<vmem>>
        tpu.enqueue_dma source(%dma_start3A_134 : memref<8192xi32, #tpu.memory_space<vmem>>) target(%dma_start3A_133 : memref<8192xi32, #tpu.memory_space<vmem_shared>>) target_semaphore(%run_scoped3A : memref<!tpu.dma_semaphore, #tpu.memory_space<semaphore_mem>>)
        %dma_wait3A = tpu.memref_slice %arg7[%mul3A_119] : memref<65536xi32, #tpu.memory_space<vmem>> -> memref<8192xi32, #tpu.memory_space<vmem>>
        %dma_wait3A_135 = arith.constant 0 : i32
        %dma_wait3A_136 = tpu.memref_slice %arg12[%arg1, %dma_wait3A_135] : memref<16x8192xi32, #tpu.memory_space<vmem_shared>> -> memref<1x8192xi32, #tpu.memory_space<vmem_shared>>
        %dma_wait3A_137 = tpu.memref_squeeze %dma_wait3A_136 : memref<1x8192xi32, #tpu.memory_space<vmem_shared>> -> memref<8192xi32, #tpu.memory_space<vmem_shared>>
        %dma_wait3A_138 = arith.constant 0 : i32
        %dma_wait3A_139 = tpu.memref_slice %arg12[%arg1, %dma_wait3A_138] : memref<16x8192xi32, #tpu.memory_space<vmem_shared>> -> memref<1x8192xi32, #tpu.memory_space<vmem_shared>>
        %dma_wait3A_140 = tpu.memref_squeeze %dma_wait3A_139 : memref<1x8192xi32, #tpu.memory_space<vmem_shared>> -> memref<8192xi32, #tpu.memory_space<vmem_shared>>
        %dma_wait3A_141 = tpu.memref_slice %arg7[%mul3A_119] : memref<65536xi32, #tpu.memory_space<vmem>> -> memref<8192xi32, #tpu.memory_space<vmem>>
        tpu.wait_dma2 semaphore(%run_scoped3A : memref<!tpu.dma_semaphore, #tpu.memory_space<semaphore_mem>>) src(%dma_wait3A_141 : memref<8192xi32, #tpu.memory_space<vmem>>) dst(%dma_wait3A_140 : memref<8192xi32, #tpu.memory_space<vmem_shared>>)
        tpu.yield
      }) : () -> ()
      %barrier3A_120 = arith.constant 0 : index
      tpu.barrier barrier_id(%barrier3A_120)
      "tpu.region"() ({
        %run_scoped3A = tpu.sem_alloc : memref<!tpu.dma_semaphore, #tpu.memory_space<semaphore_mem>>
        %dma_start3A = arith.constant 0 : i32
        %dma_start3A_128 = tpu.memref_slice %arg12[%xor3A_49, %dma_start3A] : memref<16x8192xi32, #tpu.memory_space<vmem_shared>> -> memref<1x8192xi32, #tpu.memory_space<vmem_shared>>
        %dma_start3A_129 = tpu.memref_squeeze %dma_start3A_128 : memref<1x8192xi32, #tpu.memory_space<vmem_shared>> -> memref<8192xi32, #tpu.memory_space<vmem_shared>>
        %dma_start3A_130 = arith.constant 0 : i32
        %dma_start3A_131 = tpu.memref_slice %arg12[%xor3A_49, %dma_start3A_130] : memref<16x8192xi32, #tpu.memory_space<vmem_shared>> -> memref<1x8192xi32, #tpu.memory_space<vmem_shared>>
        %dma_start3A_132 = tpu.memref_squeeze %dma_start3A_131 : memref<1x8192xi32, #tpu.memory_space<vmem_shared>> -> memref<8192xi32, #tpu.memory_space<vmem_shared>>
        tpu.enqueue_dma source(%dma_start3A_132 : memref<8192xi32, #tpu.memory_space<vmem_shared>>) target(%arg8 : memref<8192xi32, #tpu.memory_space<vmem>>) target_semaphore(%run_scoped3A : memref<!tpu.dma_semaphore, #tpu.memory_space<semaphore_mem>>)
        %dma_wait3A = arith.constant 0 : i32
        %dma_wait3A_133 = tpu.memref_slice %arg12[%xor3A_49, %dma_wait3A] : memref<16x8192xi32, #tpu.memory_space<vmem_shared>> -> memref<1x8192xi32, #tpu.memory_space<vmem_shared>>
        %dma_wait3A_134 = tpu.memref_squeeze %dma_wait3A_133 : memref<1x8192xi32, #tpu.memory_space<vmem_shared>> -> memref<8192xi32, #tpu.memory_space<vmem_shared>>
        %dma_wait3A_135 = arith.constant 0 : i32
        %dma_wait3A_136 = tpu.memref_slice %arg12[%xor3A_49, %dma_wait3A_135] : memref<16x8192xi32, #tpu.memory_space<vmem_shared>> -> memref<1x8192xi32, #tpu.memory_space<vmem_shared>>
        %dma_wait3A_137 = tpu.memref_squeeze %dma_wait3A_136 : memref<1x8192xi32, #tpu.memory_space<vmem_shared>> -> memref<8192xi32, #tpu.memory_space<vmem_shared>>
        tpu.wait_dma2 semaphore(%run_scoped3A : memref<!tpu.dma_semaphore, #tpu.memory_space<semaphore_mem>>) src(%dma_wait3A_137 : memref<8192xi32, #tpu.memory_space<vmem_shared>>) dst(%arg8 : memref<8192xi32, #tpu.memory_space<vmem>>)
        tpu.yield
      }) : () -> ()
      %scan3A_121 = arith.constant 0 : i32
      %scan3A_122 = arith.constant 512 : i32
      %scan3A_123 = arith.addi %scan3A_121, %scan3A_122 : i32
      %scan3A_124 = arith.constant 1 : i32
      %scan3A_125 = scf.for %scan3A_128 = %scan3A_121 to %scan3A_123 step %scan3A_124 iter_args(%scan3A_129 = %scan3A_117) -> (i32)  : i32 {
        %mul3A_130 = arith.constant 8192 : i32
        %mul3A_131 = arith.muli %scan3A_116, %mul3A_130 : i32
        %mul3A_132 = arith.constant 16 : i32
        %mul3A_133 = arith.muli %scan3A_128, %mul3A_132 : i32
        %add3A_134 = arith.addi %mul3A_131, %mul3A_133 : i32
        %get3A = arith.index_cast %add3A_134 : i32 to index
        %get3A_135 = tpu.vector_load %arg7[%get3A] {strides = array<i32>} : memref<65536xi32, #tpu.memory_space<vmem>>, vector<16xi32>,
        %mul3A_136 = arith.constant 16 : i32
        %mul3A_137 = arith.muli %scan3A_128, %mul3A_136 : i32
        %get3A_138 = arith.index_cast %mul3A_137 : i32 to index
        %get3A_139 = tpu.vector_load %arg8[%get3A_138] {strides = array<i32>} : memref<8192xi32, #tpu.memory_space<vmem>>, vector<16xi32>,
        %add3A_140 = arith.addi %get3A_135, %get3A_139 : vector<16xi32>
        %broadcast_in_dim3A_141 = arith.constant true
        %broadcast_in_dim3A_142 = vector.broadcast %broadcast_in_dim3A_141 : i1 to vector<16xi1>
        %masked_cumsum3A = tpu.scan <sum>, %add3A_140 masked %broadcast_in_dim3A_142 : vector<16xi32>, vector<16xi1> -> vector<16xi32>
        %sub3A_143 = arith.subi %masked_cumsum3A, %add3A_140 : vector<16xi32>
        %add3A_144 = vector.broadcast %scan3A_129 : i32 to vector<16xi32>
        %add3A_145 = arith.addi %sub3A_143, %add3A_144 : vector<16xi32>
        %mul3A_146 = vector.broadcast %select_n3A_30 : i32 to vector<16xi32>
        %mul3A_147 = arith.muli %get3A_139, %mul3A_146 : vector<16xi32>
        %add3A_148 = arith.addi %add3A_145, %mul3A_147 : vector<16xi32>
        %mul3A_149 = arith.constant 8192 : i32
        %mul3A_150 = arith.muli %scan3A_116, %mul3A_149 : i32
        %mul3A_151 = arith.constant 16 : i32
        %mul3A_152 = arith.muli %scan3A_128, %mul3A_151 : i32
        %add3A_153 = arith.addi %mul3A_150, %mul3A_152 : i32
        %swap3A_154 = arith.index_cast %add3A_153 : i32 to index
        %swap3A_155 = tpu.vector_load %arg7[%swap3A_154] {strides = array<i32>} : memref<65536xi32, #tpu.memory_space<vmem>>, vector<16xi32>,
        tpu.vector_store %arg7[%swap3A_154], %add3A_148 {strides = array<i32>} : memref<65536xi32, #tpu.memory_space<vmem>>, vector<16xi32>,
        %reduce_sum3A_156 = arith.constant true
        %reduce_sum3A_157 = vector.broadcast %reduce_sum3A_156 : i1 to vector<16xi1>
        %reduce_sum3A_158 = tpu.scan <sum>, %add3A_140 masked %reduce_sum3A_157 : vector<16xi32>, vector<16xi1> -> vector<16xi32>
        %reduce_sum3A_159 = vector.extract %reduce_sum3A_158[15] : i32 from vector<16xi32>
        %add3A_160 = arith.addi %scan3A_129, %reduce_sum3A_159 : i32
        scf.yield %add3A_160 : i32
      }
      %scan3A_126 = arith.constant 512 : i32
      %barrier3A_127 = arith.constant 0 : index
      tpu.barrier barrier_id(%barrier3A_127)
      scf.yield %scan3A_125 : i32
    }
    %scan3A_55 = arith.constant 8 : i32
    %scan3A_56 = arith.constant 0 : i32
    %scan3A_57 = arith.constant 0 : i32
    %scan3A_58 = arith.constant 64 : i32
    %scan3A_59 = arith.addi %scan3A_57, %scan3A_58 : i32
    %scan3A_60 = arith.constant 1 : i32
    scf.for %scan3A_116 = %scan3A_57 to %scan3A_59 step %scan3A_60  : i32 {
      %mul3A_117 = arith.constant 2048 : i32
      %mul3A_118 = arith.muli %scan3A_116, %mul3A_117 : i32
      %add3A_119 = arith.addi %add3A_35, %mul3A_118 : i32
      "tpu.region"() ({
        %run_scoped3A = tpu.sem_alloc : memref<!tpu.dma_semaphore, #tpu.memory_space<semaphore_mem>>
        %dma_start3A_128 = tpu.memref_slice %arg6[%add3A_119] : memref<4194304xi32, #tpu.memory_space<hbm>> -> memref<2048xi32, #tpu.memory_space<hbm>>
        %dma_start3A_129 = tpu.memref_slice %arg6[%add3A_119] : memref<4194304xi32, #tpu.memory_space<hbm>> -> memref<2048xi32, #tpu.memory_space<hbm>>
        tpu.enqueue_dma source(%dma_start3A_129 : memref<2048xi32, #tpu.memory_space<hbm>>) target(%arg10 : memref<2048xi32, #tpu.memory_space<vmem>>) target_semaphore(%run_scoped3A : memref<!tpu.dma_semaphore, #tpu.memory_space<semaphore_mem>>)
        %dma_wait3A_130 = tpu.memref_slice %arg6[%add3A_119] : memref<4194304xi32, #tpu.memory_space<hbm>> -> memref<2048xi32, #tpu.memory_space<hbm>>
        %dma_wait3A_131 = tpu.memref_slice %arg6[%add3A_119] : memref<4194304xi32, #tpu.memory_space<hbm>> -> memref<2048xi32, #tpu.memory_space<hbm>>
        tpu.wait_dma2 semaphore(%run_scoped3A : memref<!tpu.dma_semaphore, #tpu.memory_space<semaphore_mem>>) src(%dma_wait3A_131 : memref<2048xi32, #tpu.memory_space<hbm>>) dst(%arg10 : memref<2048xi32, #tpu.memory_space<vmem>>)
        tpu.yield
      }) : () -> ()
      %scan3A_120 = arith.constant 0 : i32
      %scan3A_121 = arith.constant 0 : i32
      %scan3A_122 = arith.constant 32 : i32
      %scan3A_123 = arith.addi %scan3A_121, %scan3A_122 : i32
      %scan3A_124 = arith.constant 1 : i32
      scf.for %scan3A_128 = %scan3A_121 to %scan3A_123 step %scan3A_124  : i32 {
        %mul3A_129 = arith.constant 4 : i32
        %mul3A_130 = arith.muli %scan3A_128, %mul3A_129 : i32
        %add3A_131 = arith.constant 0 : i32
        %add3A_132 = arith.addi %mul3A_130, %add3A_131 : i32
        %mul3A_133 = arith.constant 16 : i32
        %mul3A_134 = arith.muli %add3A_132, %mul3A_133 : i32
        %get3A = arith.index_cast %mul3A_134 : i32 to index
        %get3A_135 = tpu.vector_load %arg10[%get3A] {strides = array<i32>} : memref<2048xi32, #tpu.memory_space<vmem>>, vector<16xi32>,
        %and3A_136 = arith.constant 65535 : i32
        %and3A_137 = vector.broadcast %and3A_136 : i32 to vector<16xi32>
        %and3A_138 = arith.andi %get3A_135, %and3A_137 : vector<16xi32>
        %broadcast_in_dim3A_139 = arith.constant true
        %broadcast_in_dim3A_140 = vector.broadcast %broadcast_in_dim3A_139 : i1 to vector<16xi1>
        %unique3A, %unique3A_141 = tpu.scan_count mask(%broadcast_in_dim3A_140 : vector<16xi1>) value(%and3A_138 : vector<16xi32>) : vector<16xi1>, vector<16xi32>
        %gather3A = tpu.vector_load_idx %arg7[%and3A_138] : memref<65536xi32, #tpu.memory_space<vmem>>[vector<16xi32>], vector<16xi32>,
        %add3A_142 = arith.addi %gather3A, %unique3A_141 : vector<16xi32>
        %sub3A_143 = arith.constant 1 : i32
        %sub3A_144 = vector.broadcast %sub3A_143 : i32 to vector<16xi32>
        %sub3A_145 = arith.subi %add3A_142, %sub3A_144 : vector<16xi32>
        %swap3A_146 = arith.index_cast %mul3A_134 : i32 to index
        %swap3A_147 = tpu.vector_load %arg11[%swap3A_146] {strides = array<i32>} : memref<2048xi32, #tpu.memory_space<vmem>>, vector<16xi32>,
        tpu.vector_store %arg11[%swap3A_146], %sub3A_145 {strides = array<i32>} : memref<2048xi32, #tpu.memory_space<vmem>>, vector<16xi32>,
        tpu.vector_store_idx %arg7[%and3A_138], %unique3A_141 masked %unique3A {add = true} : memref<65536xi32, #tpu.memory_space<vmem>>[vector<16xi32>], vector<16xi32>, vector<16xi1>
        %mul3A_148 = arith.constant 4 : i32
        %mul3A_149 = arith.muli %scan3A_128, %mul3A_148 : i32
        %add3A_150 = arith.constant 1 : i32
        %add3A_151 = arith.addi %mul3A_149, %add3A_150 : i32
        %mul3A_152 = arith.constant 16 : i32
        %mul3A_153 = arith.muli %add3A_151, %mul3A_152 : i32
        %get3A_154 = arith.index_cast %mul3A_153 : i32 to index
        %get3A_155 = tpu.vector_load %arg10[%get3A_154] {strides = array<i32>} : memref<2048xi32, #tpu.memory_space<vmem>>, vector<16xi32>,
        %and3A_156 = arith.constant 65535 : i32
        %and3A_157 = vector.broadcast %and3A_156 : i32 to vector<16xi32>
        %and3A_158 = arith.andi %get3A_155, %and3A_157 : vector<16xi32>
        %broadcast_in_dim3A_159 = arith.constant true
        %broadcast_in_dim3A_160 = vector.broadcast %broadcast_in_dim3A_159 : i1 to vector<16xi1>
        %unique3A_161, %unique3A_162 = tpu.scan_count mask(%broadcast_in_dim3A_160 : vector<16xi1>) value(%and3A_158 : vector<16xi32>) : vector<16xi1>, vector<16xi32>
        %gather3A_163 = tpu.vector_load_idx %arg7[%and3A_158] : memref<65536xi32, #tpu.memory_space<vmem>>[vector<16xi32>], vector<16xi32>,
        %add3A_164 = arith.addi %gather3A_163, %unique3A_162 : vector<16xi32>
        %sub3A_165 = arith.constant 1 : i32
        %sub3A_166 = vector.broadcast %sub3A_165 : i32 to vector<16xi32>
        %sub3A_167 = arith.subi %add3A_164, %sub3A_166 : vector<16xi32>
        %swap3A_168 = arith.index_cast %mul3A_153 : i32 to index
        %swap3A_169 = tpu.vector_load %arg11[%swap3A_168] {strides = array<i32>} : memref<2048xi32, #tpu.memory_space<vmem>>, vector<16xi32>,
        tpu.vector_store %arg11[%swap3A_168], %sub3A_167 {strides = array<i32>} : memref<2048xi32, #tpu.memory_space<vmem>>, vector<16xi32>,
        tpu.vector_store_idx %arg7[%and3A_158], %unique3A_162 masked %unique3A_161 {add = true} : memref<65536xi32, #tpu.memory_space<vmem>>[vector<16xi32>], vector<16xi32>, vector<16xi1>
        %mul3A_170 = arith.constant 4 : i32
        %mul3A_171 = arith.muli %scan3A_128, %mul3A_170 : i32
        %add3A_172 = arith.constant 2 : i32
        %add3A_173 = arith.addi %mul3A_171, %add3A_172 : i32
        %mul3A_174 = arith.constant 16 : i32
        %mul3A_175 = arith.muli %add3A_173, %mul3A_174 : i32
        %get3A_176 = arith.index_cast %mul3A_175 : i32 to index
        %get3A_177 = tpu.vector_load %arg10[%get3A_176] {strides = array<i32>} : memref<2048xi32, #tpu.memory_space<vmem>>, vector<16xi32>,
        %and3A_178 = arith.constant 65535 : i32
        %and3A_179 = vector.broadcast %and3A_178 : i32 to vector<16xi32>
        %and3A_180 = arith.andi %get3A_177, %and3A_179 : vector<16xi32>
        %broadcast_in_dim3A_181 = arith.constant true
        %broadcast_in_dim3A_182 = vector.broadcast %broadcast_in_dim3A_181 : i1 to vector<16xi1>
        %unique3A_183, %unique3A_184 = tpu.scan_count mask(%broadcast_in_dim3A_182 : vector<16xi1>) value(%and3A_180 : vector<16xi32>) : vector<16xi1>, vector<16xi32>
        %gather3A_185 = tpu.vector_load_idx %arg7[%and3A_180] : memref<65536xi32, #tpu.memory_space<vmem>>[vector<16xi32>], vector<16xi32>,
        %add3A_186 = arith.addi %gather3A_185, %unique3A_184 : vector<16xi32>
        %sub3A_187 = arith.constant 1 : i32
        %sub3A_188 = vector.broadcast %sub3A_187 : i32 to vector<16xi32>
        %sub3A_189 = arith.subi %add3A_186, %sub3A_188 : vector<16xi32>
        %swap3A_190 = arith.index_cast %mul3A_175 : i32 to index
        %swap3A_191 = tpu.vector_load %arg11[%swap3A_190] {strides = array<i32>} : memref<2048xi32, #tpu.memory_space<vmem>>, vector<16xi32>,
        tpu.vector_store %arg11[%swap3A_190], %sub3A_189 {strides = array<i32>} : memref<2048xi32, #tpu.memory_space<vmem>>, vector<16xi32>,
        tpu.vector_store_idx %arg7[%and3A_180], %unique3A_184 masked %unique3A_183 {add = true} : memref<65536xi32, #tpu.memory_space<vmem>>[vector<16xi32>], vector<16xi32>, vector<16xi1>
        %mul3A_192 = arith.constant 4 : i32
        %mul3A_193 = arith.muli %scan3A_128, %mul3A_192 : i32
        %add3A_194 = arith.constant 3 : i32
        %add3A_195 = arith.addi %mul3A_193, %add3A_194 : i32
        %mul3A_196 = arith.constant 16 : i32
        %mul3A_197 = arith.muli %add3A_195, %mul3A_196 : i32
        %get3A_198 = arith.index_cast %mul3A_197 : i32 to index
        %get3A_199 = tpu.vector_load %arg10[%get3A_198] {strides = array<i32>} : memref<2048xi32, #tpu.memory_space<vmem>>, vector<16xi32>,
        %and3A_200 = arith.constant 65535 : i32
        %and3A_201 = vector.broadcast %and3A_200 : i32 to vector<16xi32>
        %and3A_202 = arith.andi %get3A_199, %and3A_201 : vector<16xi32>
        %broadcast_in_dim3A_203 = arith.constant true
        %broadcast_in_dim3A_204 = vector.broadcast %broadcast_in_dim3A_203 : i1 to vector<16xi1>
        %unique3A_205, %unique3A_206 = tpu.scan_count mask(%broadcast_in_dim3A_204 : vector<16xi1>) value(%and3A_202 : vector<16xi32>) : vector<16xi1>, vector<16xi32>
        %gather3A_207 = tpu.vector_load_idx %arg7[%and3A_202] : memref<65536xi32, #tpu.memory_space<vmem>>[vector<16xi32>], vector<16xi32>,
        %add3A_208 = arith.addi %gather3A_207, %unique3A_206 : vector<16xi32>
        %sub3A_209 = arith.constant 1 : i32
        %sub3A_210 = vector.broadcast %sub3A_209 : i32 to vector<16xi32>
        %sub3A_211 = arith.subi %add3A_208, %sub3A_210 : vector<16xi32>
        %swap3A_212 = arith.index_cast %mul3A_197 : i32 to index
        %swap3A_213 = tpu.vector_load %arg11[%swap3A_212] {strides = array<i32>} : memref<2048xi32, #tpu.memory_space<vmem>>, vector<16xi32>,
        tpu.vector_store %arg11[%swap3A_212], %sub3A_211 {strides = array<i32>} : memref<2048xi32, #tpu.memory_space<vmem>>, vector<16xi32>,
        tpu.vector_store_idx %arg7[%and3A_202], %unique3A_206 masked %unique3A_205 {add = true} : memref<65536xi32, #tpu.memory_space<vmem>>[vector<16xi32>], vector<16xi32>, vector<16xi1>
      }
      %scan3A_125 = arith.constant 32 : i32
      %dma_start3A = arith.constant 0 : i32
      %dma_start3A_126 = tpu.memref_slice %arg5[%dma_start3A] : memref<4194304xi32, #tpu.memory_space<hbm>> -> memref<4194304xi32, #tpu.memory_space<hbm>>
      tpu.enqueue_indirect_dma source(%arg10 : memref<2048xi32, #tpu.memory_space<vmem>>) target(%dma_start3A_126 : memref<4194304xi32, #tpu.memory_space<hbm>>) offsets(%arg11 : memref<2048xi32, #tpu.memory_space<vmem>>) semaphore(%arg13 : memref<!tpu.dma_semaphore, #tpu.memory_space<semaphore_mem>>)
      %dma_wait3A = arith.constant 0 : i32
      %dma_wait3A_127 = tpu.memref_slice %arg5[%dma_wait3A] : memref<4194304xi32, #tpu.memory_space<hbm>> -> memref<4194304xi32, #tpu.memory_space<hbm>>
      tpu.wait_indirect_dma semaphore(%arg13 : memref<!tpu.dma_semaphore, #tpu.memory_space<semaphore_mem>>) src(%arg10 : memref<2048xi32, #tpu.memory_space<vmem>>) dst(%dma_wait3A_127 : memref<4194304xi32, #tpu.memory_space<hbm>>)
    }
    %scan3A_61 = arith.constant 64 : i32
    %barrier3A = arith.constant 0 : index
    tpu.barrier barrier_id(%barrier3A)
    %scan3A_62 = arith.constant 0 : i32
    %scan3A_63 = arith.constant 8000 : i32
    %scan3A_64 = arith.addi %scan3A_62, %scan3A_63 : i32
    %scan3A_65 = arith.constant 1 : i32
    %scan3A_66 = scf.for %scan3A_116 = %scan3A_62 to %scan3A_64 step %scan3A_65 iter_args(%scan3A_117 = %arg1) -> (i32)  : i32 {
      %mul3A_118 = arith.constant 1664525 : i32
      %mul3A_119 = arith.muli %scan3A_117, %mul3A_118 : i32
      %add3A_120 = arith.addi %mul3A_119, %scan3A_116 : i32
      scf.yield %add3A_120 : i32
    }
    %scan3A_67 = arith.constant 8000 : i32
    %broadcast_in_dim3A = vector.broadcast %scan3A_66 : i32 to vector<16xi32>
    %swap3A = arith.constant 0 : index
    %swap3A_68 = tpu.vector_load %arg11[%swap3A] {strides = array<i32>} : memref<2048xi32, #tpu.memory_space<vmem>>, vector<16xi32>,
    tpu.vector_store %arg11[%swap3A], %broadcast_in_dim3A {strides = array<i32>} : memref<2048xi32, #tpu.memory_space<vmem>>, vector<16xi32>,
    %barrier3A_69 = arith.constant 0 : index
    tpu.barrier barrier_id(%barrier3A_69)
    %scan3A_70 = arith.constant 0 : i32
    %scan3A_71 = arith.constant 0 : i32
    %scan3A_72 = arith.constant 4096 : i32
    %scan3A_73 = arith.addi %scan3A_71, %scan3A_72 : i32
    %scan3A_74 = arith.constant 1 : i32
    scf.for %scan3A_116 = %scan3A_71 to %scan3A_73 step %scan3A_74  : i32 {
      %broadcast_in_dim3A_117 = arith.constant 0 : i32
      %broadcast_in_dim3A_118 = vector.broadcast %broadcast_in_dim3A_117 : i32 to vector<16xi32>
      %mul3A_119 = arith.constant 16 : i32
      %mul3A_120 = arith.muli %scan3A_116, %mul3A_119 : i32
      %swap3A_121 = arith.index_cast %mul3A_120 : i32 to index
      %swap3A_122 = tpu.vector_load %arg7[%swap3A_121] {strides = array<i32>} : memref<65536xi32, #tpu.memory_space<vmem>>, vector<16xi32>,
      tpu.vector_store %arg7[%swap3A_121], %broadcast_in_dim3A_118 {strides = array<i32>} : memref<65536xi32, #tpu.memory_space<vmem>>, vector<16xi32>,
    }
    %scan3A_75 = arith.constant 4096 : i32
    %scan3A_76 = arith.constant 0 : i32
    %scan3A_77 = arith.constant 0 : i32
    %scan3A_78 = arith.constant 64 : i32
    %scan3A_79 = arith.addi %scan3A_77, %scan3A_78 : i32
    %scan3A_80 = arith.constant 1 : i32
    scf.for %scan3A_116 = %scan3A_77 to %scan3A_79 step %scan3A_80  : i32 {
      %mul3A_117 = arith.constant 2048 : i32
      %mul3A_118 = arith.muli %scan3A_116, %mul3A_117 : i32
      %add3A_119 = arith.addi %add3A_35, %mul3A_118 : i32
      "tpu.region"() ({
        %run_scoped3A = tpu.sem_alloc : memref<!tpu.dma_semaphore, #tpu.memory_space<semaphore_mem>>
        %dma_start3A = tpu.memref_slice %arg5[%add3A_119] : memref<4194304xi32, #tpu.memory_space<hbm>> -> memref<2048xi32, #tpu.memory_space<hbm>>
        %dma_start3A_126 = tpu.memref_slice %arg5[%add3A_119] : memref<4194304xi32, #tpu.memory_space<hbm>> -> memref<2048xi32, #tpu.memory_space<hbm>>
        tpu.enqueue_dma source(%dma_start3A_126 : memref<2048xi32, #tpu.memory_space<hbm>>) target(%arg10 : memref<2048xi32, #tpu.memory_space<vmem>>) target_semaphore(%run_scoped3A : memref<!tpu.dma_semaphore, #tpu.memory_space<semaphore_mem>>)
        %dma_wait3A = tpu.memref_slice %arg5[%add3A_119] : memref<4194304xi32, #tpu.memory_space<hbm>> -> memref<2048xi32, #tpu.memory_space<hbm>>
        %dma_wait3A_127 = tpu.memref_slice %arg5[%add3A_119] : memref<4194304xi32, #tpu.memory_space<hbm>> -> memref<2048xi32, #tpu.memory_space<hbm>>
        tpu.wait_dma2 semaphore(%run_scoped3A : memref<!tpu.dma_semaphore, #tpu.memory_space<semaphore_mem>>) src(%dma_wait3A_127 : memref<2048xi32, #tpu.memory_space<hbm>>) dst(%arg10 : memref<2048xi32, #tpu.memory_space<vmem>>)
        tpu.yield
      }) : () -> ()
      %scan3A_120 = arith.constant 0 : i32
      %scan3A_121 = arith.constant 0 : i32
      %scan3A_122 = arith.constant 32 : i32
      %scan3A_123 = arith.addi %scan3A_121, %scan3A_122 : i32
      %scan3A_124 = arith.constant 1 : i32
      scf.for %scan3A_126 = %scan3A_121 to %scan3A_123 step %scan3A_124  : i32 {
        %mul3A_127 = arith.constant 4 : i32
        %mul3A_128 = arith.muli %scan3A_126, %mul3A_127 : i32
        %add3A_129 = arith.constant 0 : i32
        %add3A_130 = arith.addi %mul3A_128, %add3A_129 : i32
        %mul3A_131 = arith.constant 16 : i32
        %mul3A_132 = arith.muli %add3A_130, %mul3A_131 : i32
        %get3A = arith.index_cast %mul3A_132 : i32 to index
        %get3A_133 = tpu.vector_load %arg10[%get3A] {strides = array<i32>} : memref<2048xi32, #tpu.memory_space<vmem>>, vector<16xi32>,
        %shift_right_logical3A = arith.constant 16 : i32
        %shift_right_logical3A_134 = vector.broadcast %shift_right_logical3A : i32 to vector<16xi32>
        %shift_right_logical3A_135 = arith.shrui %get3A_133, %shift_right_logical3A_134 : vector<16xi32>
        %and3A_136 = arith.constant 1 : i32
        %and3A_137 = vector.broadcast %and3A_136 : i32 to vector<16xi32>
        %and3A_138 = arith.andi %get3A_133, %and3A_137 : vector<16xi32>
        %shift_left3A = arith.constant 1 : i32
        %shift_left3A_139 = vector.broadcast %shift_left3A : i32 to vector<16xi32>
        %shift_left3A_140 = arith.shli %shift_right_logical3A_135, %shift_left3A_139 : vector<16xi32>
        %or3A = arith.ori %shift_left3A_140, %and3A_138 : vector<16xi32>
        %broadcast_in_dim3A_141 = arith.constant true
        %broadcast_in_dim3A_142 = vector.broadcast %broadcast_in_dim3A_141 : i1 to vector<16xi1>
        %unique3A, %unique3A_143 = tpu.scan_count mask(%broadcast_in_dim3A_142 : vector<16xi1>) value(%shift_right_logical3A_135 : vector<16xi32>) : vector<16xi1>, vector<16xi32>
        %broadcast_in_dim3A_144 = arith.constant true
        %broadcast_in_dim3A_145 = vector.broadcast %broadcast_in_dim3A_144 : i1 to vector<16xi1>
        %unique3A_146, %unique3A_147 = tpu.scan_count mask(%broadcast_in_dim3A_145 : vector<16xi1>) value(%or3A : vector<16xi32>) : vector<16xi1>, vector<16xi32>
        %mul3A_148 = arith.constant 2 : i32
        %mul3A_149 = vector.broadcast %mul3A_148 : i32 to vector<16xi32>
        %mul3A_150 = arith.muli %mul3A_149, %and3A_138 : vector<16xi32>
        %sub3A_151 = arith.constant 1 : i32
        %sub3A_152 = vector.broadcast %sub3A_151 : i32 to vector<16xi32>
        %sub3A_153 = arith.subi %sub3A_152, %mul3A_150 : vector<16xi32>
        %mul3A_154 = arith.constant 2 : i32
        %mul3A_155 = vector.broadcast %mul3A_154 : i32 to vector<16xi32>
        %mul3A_156 = arith.muli %mul3A_155, %unique3A_147 : vector<16xi32>
        %sub3A_157 = arith.subi %mul3A_156, %unique3A_143 : vector<16xi32>
        %mul3A_158 = arith.muli %sub3A_153, %sub3A_157 : vector<16xi32>
        tpu.vector_store_idx %arg7[%shift_right_logical3A_135], %mul3A_158 masked %unique3A {add = true} : memref<65536xi32, #tpu.memory_space<vmem>>[vector<16xi32>], vector<16xi32>, vector<16xi1>
        %mul3A_159 = arith.constant 4 : i32
        %mul3A_160 = arith.muli %scan3A_126, %mul3A_159 : i32
        %add3A_161 = arith.constant 1 : i32
        %add3A_162 = arith.addi %mul3A_160, %add3A_161 : i32
        %mul3A_163 = arith.constant 16 : i32
        %mul3A_164 = arith.muli %add3A_162, %mul3A_163 : i32
        %get3A_165 = arith.index_cast %mul3A_164 : i32 to index
        %get3A_166 = tpu.vector_load %arg10[%get3A_165] {strides = array<i32>} : memref<2048xi32, #tpu.memory_space<vmem>>, vector<16xi32>,
        %shift_right_logical3A_167 = arith.constant 16 : i32
        %shift_right_logical3A_168 = vector.broadcast %shift_right_logical3A_167 : i32 to vector<16xi32>
        %shift_right_logical3A_169 = arith.shrui %get3A_166, %shift_right_logical3A_168 : vector<16xi32>
        %and3A_170 = arith.constant 1 : i32
        %and3A_171 = vector.broadcast %and3A_170 : i32 to vector<16xi32>
        %and3A_172 = arith.andi %get3A_166, %and3A_171 : vector<16xi32>
        %shift_left3A_173 = arith.constant 1 : i32
        %shift_left3A_174 = vector.broadcast %shift_left3A_173 : i32 to vector<16xi32>
        %shift_left3A_175 = arith.shli %shift_right_logical3A_169, %shift_left3A_174 : vector<16xi32>
        %or3A_176 = arith.ori %shift_left3A_175, %and3A_172 : vector<16xi32>
        %broadcast_in_dim3A_177 = arith.constant true
        %broadcast_in_dim3A_178 = vector.broadcast %broadcast_in_dim3A_177 : i1 to vector<16xi1>
        %unique3A_179, %unique3A_180 = tpu.scan_count mask(%broadcast_in_dim3A_178 : vector<16xi1>) value(%shift_right_logical3A_169 : vector<16xi32>) : vector<16xi1>, vector<16xi32>
        %broadcast_in_dim3A_181 = arith.constant true
        %broadcast_in_dim3A_182 = vector.broadcast %broadcast_in_dim3A_181 : i1 to vector<16xi1>
        %unique3A_183, %unique3A_184 = tpu.scan_count mask(%broadcast_in_dim3A_182 : vector<16xi1>) value(%or3A_176 : vector<16xi32>) : vector<16xi1>, vector<16xi32>
        %mul3A_185 = arith.constant 2 : i32
        %mul3A_186 = vector.broadcast %mul3A_185 : i32 to vector<16xi32>
        %mul3A_187 = arith.muli %mul3A_186, %and3A_172 : vector<16xi32>
        %sub3A_188 = arith.constant 1 : i32
        %sub3A_189 = vector.broadcast %sub3A_188 : i32 to vector<16xi32>
        %sub3A_190 = arith.subi %sub3A_189, %mul3A_187 : vector<16xi32>
        %mul3A_191 = arith.constant 2 : i32
        %mul3A_192 = vector.broadcast %mul3A_191 : i32 to vector<16xi32>
        %mul3A_193 = arith.muli %mul3A_192, %unique3A_184 : vector<16xi32>
        %sub3A_194 = arith.subi %mul3A_193, %unique3A_180 : vector<16xi32>
        %mul3A_195 = arith.muli %sub3A_190, %sub3A_194 : vector<16xi32>
        tpu.vector_store_idx %arg7[%shift_right_logical3A_169], %mul3A_195 masked %unique3A_179 {add = true} : memref<65536xi32, #tpu.memory_space<vmem>>[vector<16xi32>], vector<16xi32>, vector<16xi1>
        %mul3A_196 = arith.constant 4 : i32
        %mul3A_197 = arith.muli %scan3A_126, %mul3A_196 : i32
        %add3A_198 = arith.constant 2 : i32
        %add3A_199 = arith.addi %mul3A_197, %add3A_198 : i32
        %mul3A_200 = arith.constant 16 : i32
        %mul3A_201 = arith.muli %add3A_199, %mul3A_200 : i32
        %get3A_202 = arith.index_cast %mul3A_201 : i32 to index
        %get3A_203 = tpu.vector_load %arg10[%get3A_202] {strides = array<i32>} : memref<2048xi32, #tpu.memory_space<vmem>>, vector<16xi32>,
        %shift_right_logical3A_204 = arith.constant 16 : i32
        %shift_right_logical3A_205 = vector.broadcast %shift_right_logical3A_204 : i32 to vector<16xi32>
        %shift_right_logical3A_206 = arith.shrui %get3A_203, %shift_right_logical3A_205 : vector<16xi32>
        %and3A_207 = arith.constant 1 : i32
        %and3A_208 = vector.broadcast %and3A_207 : i32 to vector<16xi32>
        %and3A_209 = arith.andi %get3A_203, %and3A_208 : vector<16xi32>
        %shift_left3A_210 = arith.constant 1 : i32
        %shift_left3A_211 = vector.broadcast %shift_left3A_210 : i32 to vector<16xi32>
        %shift_left3A_212 = arith.shli %shift_right_logical3A_206, %shift_left3A_211 : vector<16xi32>
        %or3A_213 = arith.ori %shift_left3A_212, %and3A_209 : vector<16xi32>
        %broadcast_in_dim3A_214 = arith.constant true
        %broadcast_in_dim3A_215 = vector.broadcast %broadcast_in_dim3A_214 : i1 to vector<16xi1>
        %unique3A_216, %unique3A_217 = tpu.scan_count mask(%broadcast_in_dim3A_215 : vector<16xi1>) value(%shift_right_logical3A_206 : vector<16xi32>) : vector<16xi1>, vector<16xi32>
        %broadcast_in_dim3A_218 = arith.constant true
        %broadcast_in_dim3A_219 = vector.broadcast %broadcast_in_dim3A_218 : i1 to vector<16xi1>
        %unique3A_220, %unique3A_221 = tpu.scan_count mask(%broadcast_in_dim3A_219 : vector<16xi1>) value(%or3A_213 : vector<16xi32>) : vector<16xi1>, vector<16xi32>
        %mul3A_222 = arith.constant 2 : i32
        %mul3A_223 = vector.broadcast %mul3A_222 : i32 to vector<16xi32>
        %mul3A_224 = arith.muli %mul3A_223, %and3A_209 : vector<16xi32>
        %sub3A_225 = arith.constant 1 : i32
        %sub3A_226 = vector.broadcast %sub3A_225 : i32 to vector<16xi32>
        %sub3A_227 = arith.subi %sub3A_226, %mul3A_224 : vector<16xi32>
        %mul3A_228 = arith.constant 2 : i32
        %mul3A_229 = vector.broadcast %mul3A_228 : i32 to vector<16xi32>
        %mul3A_230 = arith.muli %mul3A_229, %unique3A_221 : vector<16xi32>
        %sub3A_231 = arith.subi %mul3A_230, %unique3A_217 : vector<16xi32>
        %mul3A_232 = arith.muli %sub3A_227, %sub3A_231 : vector<16xi32>
        tpu.vector_store_idx %arg7[%shift_right_logical3A_206], %mul3A_232 masked %unique3A_216 {add = true} : memref<65536xi32, #tpu.memory_space<vmem>>[vector<16xi32>], vector<16xi32>, vector<16xi1>
        %mul3A_233 = arith.constant 4 : i32
        %mul3A_234 = arith.muli %scan3A_126, %mul3A_233 : i32
        %add3A_235 = arith.constant 3 : i32
        %add3A_236 = arith.addi %mul3A_234, %add3A_235 : i32
        %mul3A_237 = arith.constant 16 : i32
        %mul3A_238 = arith.muli %add3A_236, %mul3A_237 : i32
        %get3A_239 = arith.index_cast %mul3A_238 : i32 to index
        %get3A_240 = tpu.vector_load %arg10[%get3A_239] {strides = array<i32>} : memref<2048xi32, #tpu.memory_space<vmem>>, vector<16xi32>,
        %shift_right_logical3A_241 = arith.constant 16 : i32
        %shift_right_logical3A_242 = vector.broadcast %shift_right_logical3A_241 : i32 to vector<16xi32>
        %shift_right_logical3A_243 = arith.shrui %get3A_240, %shift_right_logical3A_242 : vector<16xi32>
        %and3A_244 = arith.constant 1 : i32
        %and3A_245 = vector.broadcast %and3A_244 : i32 to vector<16xi32>
        %and3A_246 = arith.andi %get3A_240, %and3A_245 : vector<16xi32>
        %shift_left3A_247 = arith.constant 1 : i32
        %shift_left3A_248 = vector.broadcast %shift_left3A_247 : i32 to vector<16xi32>
        %shift_left3A_249 = arith.shli %shift_right_logical3A_243, %shift_left3A_248 : vector<16xi32>
        %or3A_250 = arith.ori %shift_left3A_249, %and3A_246 : vector<16xi32>
        %broadcast_in_dim3A_251 = arith.constant true
        %broadcast_in_dim3A_252 = vector.broadcast %broadcast_in_dim3A_251 : i1 to vector<16xi1>
        %unique3A_253, %unique3A_254 = tpu.scan_count mask(%broadcast_in_dim3A_252 : vector<16xi1>) value(%shift_right_logical3A_243 : vector<16xi32>) : vector<16xi1>, vector<16xi32>
        %broadcast_in_dim3A_255 = arith.constant true
        %broadcast_in_dim3A_256 = vector.broadcast %broadcast_in_dim3A_255 : i1 to vector<16xi1>
        %unique3A_257, %unique3A_258 = tpu.scan_count mask(%broadcast_in_dim3A_256 : vector<16xi1>) value(%or3A_250 : vector<16xi32>) : vector<16xi1>, vector<16xi32>
        %mul3A_259 = arith.constant 2 : i32
        %mul3A_260 = vector.broadcast %mul3A_259 : i32 to vector<16xi32>
        %mul3A_261 = arith.muli %mul3A_260, %and3A_246 : vector<16xi32>
        %sub3A_262 = arith.constant 1 : i32
        %sub3A_263 = vector.broadcast %sub3A_262 : i32 to vector<16xi32>
        %sub3A_264 = arith.subi %sub3A_263, %mul3A_261 : vector<16xi32>
        %mul3A_265 = arith.constant 2 : i32
        %mul3A_266 = vector.broadcast %mul3A_265 : i32 to vector<16xi32>
        %mul3A_267 = arith.muli %mul3A_266, %unique3A_258 : vector<16xi32>
        %sub3A_268 = arith.subi %mul3A_267, %unique3A_254 : vector<16xi32>
        %mul3A_269 = arith.muli %sub3A_264, %sub3A_268 : vector<16xi32>
        tpu.vector_store_idx %arg7[%shift_right_logical3A_243], %mul3A_269 masked %unique3A_253 {add = true} : memref<65536xi32, #tpu.memory_space<vmem>>[vector<16xi32>], vector<16xi32>, vector<16xi1>
      }
      %scan3A_125 = arith.constant 32 : i32
    }
    %scan3A_81 = arith.constant 64 : i32
    %xor3A_82 = arith.constant 1 : i32
    %xor3A_83 = arith.xori %arg1, %xor3A_82 : i32
    %scan3A_84 = arith.constant 0 : i32
    %scan3A_85 = arith.constant 0 : i32
    %scan3A_86 = arith.constant 8 : i32
    %scan3A_87 = arith.addi %scan3A_85, %scan3A_86 : i32
    %scan3A_88 = arith.constant 1 : i32
    %scan3A_89 = scf.for %scan3A_116 = %scan3A_85 to %scan3A_87 step %scan3A_88 iter_args(%scan3A_117 = %scan3A_84) -> (i32)  : i32 {
      %mul3A_118 = arith.constant 8192 : i32
      %mul3A_119 = arith.muli %scan3A_116, %mul3A_118 : i32
      "tpu.region"() ({
        %run_scoped3A = tpu.sem_alloc : memref<!tpu.dma_semaphore, #tpu.memory_space<semaphore_mem>>
        %dma_start3A = tpu.memref_slice %arg7[%mul3A_119] : memref<65536xi32, #tpu.memory_space<vmem>> -> memref<8192xi32, #tpu.memory_space<vmem>>
        %dma_start3A_128 = arith.constant 0 : i32
        %dma_start3A_129 = tpu.memref_slice %arg12[%arg1, %dma_start3A_128] : memref<16x8192xi32, #tpu.memory_space<vmem_shared>> -> memref<1x8192xi32, #tpu.memory_space<vmem_shared>>
        %dma_start3A_130 = tpu.memref_squeeze %dma_start3A_129 : memref<1x8192xi32, #tpu.memory_space<vmem_shared>> -> memref<8192xi32, #tpu.memory_space<vmem_shared>>
        %dma_start3A_131 = arith.constant 0 : i32
        %dma_start3A_132 = tpu.memref_slice %arg12[%arg1, %dma_start3A_131] : memref<16x8192xi32, #tpu.memory_space<vmem_shared>> -> memref<1x8192xi32, #tpu.memory_space<vmem_shared>>
        %dma_start3A_133 = tpu.memref_squeeze %dma_start3A_132 : memref<1x8192xi32, #tpu.memory_space<vmem_shared>> -> memref<8192xi32, #tpu.memory_space<vmem_shared>>
        %dma_start3A_134 = tpu.memref_slice %arg7[%mul3A_119] : memref<65536xi32, #tpu.memory_space<vmem>> -> memref<8192xi32, #tpu.memory_space<vmem>>
        tpu.enqueue_dma source(%dma_start3A_134 : memref<8192xi32, #tpu.memory_space<vmem>>) target(%dma_start3A_133 : memref<8192xi32, #tpu.memory_space<vmem_shared>>) target_semaphore(%run_scoped3A : memref<!tpu.dma_semaphore, #tpu.memory_space<semaphore_mem>>)
        %dma_wait3A = tpu.memref_slice %arg7[%mul3A_119] : memref<65536xi32, #tpu.memory_space<vmem>> -> memref<8192xi32, #tpu.memory_space<vmem>>
        %dma_wait3A_135 = arith.constant 0 : i32
        %dma_wait3A_136 = tpu.memref_slice %arg12[%arg1, %dma_wait3A_135] : memref<16x8192xi32, #tpu.memory_space<vmem_shared>> -> memref<1x8192xi32, #tpu.memory_space<vmem_shared>>
        %dma_wait3A_137 = tpu.memref_squeeze %dma_wait3A_136 : memref<1x8192xi32, #tpu.memory_space<vmem_shared>> -> memref<8192xi32, #tpu.memory_space<vmem_shared>>
        %dma_wait3A_138 = arith.constant 0 : i32
        %dma_wait3A_139 = tpu.memref_slice %arg12[%arg1, %dma_wait3A_138] : memref<16x8192xi32, #tpu.memory_space<vmem_shared>> -> memref<1x8192xi32, #tpu.memory_space<vmem_shared>>
        %dma_wait3A_140 = tpu.memref_squeeze %dma_wait3A_139 : memref<1x8192xi32, #tpu.memory_space<vmem_shared>> -> memref<8192xi32, #tpu.memory_space<vmem_shared>>
        %dma_wait3A_141 = tpu.memref_slice %arg7[%mul3A_119] : memref<65536xi32, #tpu.memory_space<vmem>> -> memref<8192xi32, #tpu.memory_space<vmem>>
        tpu.wait_dma2 semaphore(%run_scoped3A : memref<!tpu.dma_semaphore, #tpu.memory_space<semaphore_mem>>) src(%dma_wait3A_141 : memref<8192xi32, #tpu.memory_space<vmem>>) dst(%dma_wait3A_140 : memref<8192xi32, #tpu.memory_space<vmem_shared>>)
        tpu.yield
      }) : () -> ()
      %barrier3A_120 = arith.constant 0 : index
      tpu.barrier barrier_id(%barrier3A_120)
      "tpu.region"() ({
        %run_scoped3A = tpu.sem_alloc : memref<!tpu.dma_semaphore, #tpu.memory_space<semaphore_mem>>
        %dma_start3A = arith.constant 0 : i32
        %dma_start3A_128 = tpu.memref_slice %arg12[%xor3A_83, %dma_start3A] : memref<16x8192xi32, #tpu.memory_space<vmem_shared>> -> memref<1x8192xi32, #tpu.memory_space<vmem_shared>>
        %dma_start3A_129 = tpu.memref_squeeze %dma_start3A_128 : memref<1x8192xi32, #tpu.memory_space<vmem_shared>> -> memref<8192xi32, #tpu.memory_space<vmem_shared>>
        %dma_start3A_130 = arith.constant 0 : i32
        %dma_start3A_131 = tpu.memref_slice %arg12[%xor3A_83, %dma_start3A_130] : memref<16x8192xi32, #tpu.memory_space<vmem_shared>> -> memref<1x8192xi32, #tpu.memory_space<vmem_shared>>
        %dma_start3A_132 = tpu.memref_squeeze %dma_start3A_131 : memref<1x8192xi32, #tpu.memory_space<vmem_shared>> -> memref<8192xi32, #tpu.memory_space<vmem_shared>>
        tpu.enqueue_dma source(%dma_start3A_132 : memref<8192xi32, #tpu.memory_space<vmem_shared>>) target(%arg8 : memref<8192xi32, #tpu.memory_space<vmem>>) target_semaphore(%run_scoped3A : memref<!tpu.dma_semaphore, #tpu.memory_space<semaphore_mem>>)
        %dma_wait3A = arith.constant 0 : i32
        %dma_wait3A_133 = tpu.memref_slice %arg12[%xor3A_83, %dma_wait3A] : memref<16x8192xi32, #tpu.memory_space<vmem_shared>> -> memref<1x8192xi32, #tpu.memory_space<vmem_shared>>
        %dma_wait3A_134 = tpu.memref_squeeze %dma_wait3A_133 : memref<1x8192xi32, #tpu.memory_space<vmem_shared>> -> memref<8192xi32, #tpu.memory_space<vmem_shared>>
        %dma_wait3A_135 = arith.constant 0 : i32
        %dma_wait3A_136 = tpu.memref_slice %arg12[%xor3A_83, %dma_wait3A_135] : memref<16x8192xi32, #tpu.memory_space<vmem_shared>> -> memref<1x8192xi32, #tpu.memory_space<vmem_shared>>
        %dma_wait3A_137 = tpu.memref_squeeze %dma_wait3A_136 : memref<1x8192xi32, #tpu.memory_space<vmem_shared>> -> memref<8192xi32, #tpu.memory_space<vmem_shared>>
        tpu.wait_dma2 semaphore(%run_scoped3A : memref<!tpu.dma_semaphore, #tpu.memory_space<semaphore_mem>>) src(%dma_wait3A_137 : memref<8192xi32, #tpu.memory_space<vmem_shared>>) dst(%arg8 : memref<8192xi32, #tpu.memory_space<vmem>>)
        tpu.yield
      }) : () -> ()
      %scan3A_121 = arith.constant 0 : i32
      %scan3A_122 = arith.constant 512 : i32
      %scan3A_123 = arith.addi %scan3A_121, %scan3A_122 : i32
      %scan3A_124 = arith.constant 1 : i32
      %scan3A_125 = scf.for %scan3A_128 = %scan3A_121 to %scan3A_123 step %scan3A_124 iter_args(%scan3A_129 = %scan3A_117) -> (i32)  : i32 {
        %mul3A_130 = arith.constant 8192 : i32
        %mul3A_131 = arith.muli %scan3A_116, %mul3A_130 : i32
        %mul3A_132 = arith.constant 16 : i32
        %mul3A_133 = arith.muli %scan3A_128, %mul3A_132 : i32
        %add3A_134 = arith.addi %mul3A_131, %mul3A_133 : i32
        %get3A = arith.index_cast %add3A_134 : i32 to index
        %get3A_135 = tpu.vector_load %arg7[%get3A] {strides = array<i32>} : memref<65536xi32, #tpu.memory_space<vmem>>, vector<16xi32>,
        %mul3A_136 = arith.constant 16 : i32
        %mul3A_137 = arith.muli %scan3A_128, %mul3A_136 : i32
        %get3A_138 = arith.index_cast %mul3A_137 : i32 to index
        %get3A_139 = tpu.vector_load %arg8[%get3A_138] {strides = array<i32>} : memref<8192xi32, #tpu.memory_space<vmem>>, vector<16xi32>,
        %add3A_140 = arith.addi %get3A_135, %get3A_139 : vector<16xi32>
        %broadcast_in_dim3A_141 = arith.constant true
        %broadcast_in_dim3A_142 = vector.broadcast %broadcast_in_dim3A_141 : i1 to vector<16xi1>
        %masked_cumsum3A = tpu.scan <sum>, %add3A_140 masked %broadcast_in_dim3A_142 : vector<16xi32>, vector<16xi1> -> vector<16xi32>
        %sub3A_143 = arith.subi %masked_cumsum3A, %add3A_140 : vector<16xi32>
        %add3A_144 = vector.broadcast %scan3A_129 : i32 to vector<16xi32>
        %add3A_145 = arith.addi %sub3A_143, %add3A_144 : vector<16xi32>
        %mul3A_146 = vector.broadcast %select_n3A_30 : i32 to vector<16xi32>
        %mul3A_147 = arith.muli %get3A_139, %mul3A_146 : vector<16xi32>
        %add3A_148 = arith.addi %add3A_145, %mul3A_147 : vector<16xi32>
        %mul3A_149 = arith.constant 8192 : i32
        %mul3A_150 = arith.muli %scan3A_116, %mul3A_149 : i32
        %mul3A_151 = arith.constant 16 : i32
        %mul3A_152 = arith.muli %scan3A_128, %mul3A_151 : i32
        %add3A_153 = arith.addi %mul3A_150, %mul3A_152 : i32
        %swap3A_154 = arith.index_cast %add3A_153 : i32 to index
        %swap3A_155 = tpu.vector_load %arg7[%swap3A_154] {strides = array<i32>} : memref<65536xi32, #tpu.memory_space<vmem>>, vector<16xi32>,
        tpu.vector_store %arg7[%swap3A_154], %add3A_148 {strides = array<i32>} : memref<65536xi32, #tpu.memory_space<vmem>>, vector<16xi32>,
        %reduce_sum3A_156 = arith.constant true
        %reduce_sum3A_157 = vector.broadcast %reduce_sum3A_156 : i1 to vector<16xi1>
        %reduce_sum3A_158 = tpu.scan <sum>, %add3A_140 masked %reduce_sum3A_157 : vector<16xi32>, vector<16xi1> -> vector<16xi32>
        %reduce_sum3A_159 = vector.extract %reduce_sum3A_158[15] : i32 from vector<16xi32>
        %add3A_160 = arith.addi %scan3A_129, %reduce_sum3A_159 : i32
        scf.yield %add3A_160 : i32
      }
      %scan3A_126 = arith.constant 512 : i32
      %barrier3A_127 = arith.constant 0 : index
      tpu.barrier barrier_id(%barrier3A_127)
      scf.yield %scan3A_125 : i32
    }
    %scan3A_90 = arith.constant 8 : i32
    %broadcast_in_dim3A_91 = arith.constant 0.000000e+00 : f32
    %broadcast_in_dim3A_92 = vector.broadcast %broadcast_in_dim3A_91 : f32 to vector<16xf32>
    %scan3A_93 = arith.constant 0 : i32
    %scan3A_94 = arith.constant 64 : i32
    %scan3A_95 = arith.addi %scan3A_93, %scan3A_94 : i32
    %scan3A_96 = arith.constant 1 : i32
    %scan3A_97 = scf.for %scan3A_116 = %scan3A_93 to %scan3A_95 step %scan3A_96 iter_args(%scan3A_117 = %broadcast_in_dim3A_92) -> (vector<16xf32>)  : i32 {
      %mul3A_118 = arith.constant 2048 : i32
      %mul3A_119 = arith.muli %scan3A_116, %mul3A_118 : i32
      %add3A_120 = arith.addi %add3A_35, %mul3A_119 : i32
      "tpu.region"() ({
        %run_scoped3A = tpu.sem_alloc : memref<!tpu.dma_semaphore, #tpu.memory_space<semaphore_mem>>
        %dma_start3A = tpu.memref_slice %arg5[%add3A_120] : memref<4194304xi32, #tpu.memory_space<hbm>> -> memref<2048xi32, #tpu.memory_space<hbm>>
        %dma_start3A_127 = tpu.memref_slice %arg5[%add3A_120] : memref<4194304xi32, #tpu.memory_space<hbm>> -> memref<2048xi32, #tpu.memory_space<hbm>>
        tpu.enqueue_dma source(%dma_start3A_127 : memref<2048xi32, #tpu.memory_space<hbm>>) target(%arg10 : memref<2048xi32, #tpu.memory_space<vmem>>) target_semaphore(%run_scoped3A : memref<!tpu.dma_semaphore, #tpu.memory_space<semaphore_mem>>)
        %dma_wait3A = tpu.memref_slice %arg5[%add3A_120] : memref<4194304xi32, #tpu.memory_space<hbm>> -> memref<2048xi32, #tpu.memory_space<hbm>>
        %dma_wait3A_128 = tpu.memref_slice %arg5[%add3A_120] : memref<4194304xi32, #tpu.memory_space<hbm>> -> memref<2048xi32, #tpu.memory_space<hbm>>
        tpu.wait_dma2 semaphore(%run_scoped3A : memref<!tpu.dma_semaphore, #tpu.memory_space<semaphore_mem>>) src(%dma_wait3A_128 : memref<2048xi32, #tpu.memory_space<hbm>>) dst(%arg10 : memref<2048xi32, #tpu.memory_space<vmem>>)
        tpu.yield
      }) : () -> ()
      %scan3A_121 = arith.constant 0 : i32
      %scan3A_122 = arith.constant 32 : i32
      %scan3A_123 = arith.addi %scan3A_121, %scan3A_122 : i32
      %scan3A_124 = arith.constant 1 : i32
      %scan3A_125 = scf.for %scan3A_127 = %scan3A_121 to %scan3A_123 step %scan3A_124 iter_args(%scan3A_128 = %scan3A_117) -> (vector<16xf32>)  : i32 {
        %mul3A_129 = arith.constant 4 : i32
        %mul3A_130 = arith.muli %scan3A_127, %mul3A_129 : i32
        %add3A_131 = arith.constant 0 : i32
        %add3A_132 = arith.addi %mul3A_130, %add3A_131 : i32
        %mul3A_133 = arith.constant 16 : i32
        %mul3A_134 = arith.muli %add3A_132, %mul3A_133 : i32
        %get3A = arith.index_cast %mul3A_134 : i32 to index
        %get3A_135 = tpu.vector_load %arg10[%get3A] {strides = array<i32>} : memref<2048xi32, #tpu.memory_space<vmem>>, vector<16xi32>,
        %shift_right_logical3A = arith.constant 16 : i32
        %shift_right_logical3A_136 = vector.broadcast %shift_right_logical3A : i32 to vector<16xi32>
        %shift_right_logical3A_137 = arith.shrui %get3A_135, %shift_right_logical3A_136 : vector<16xi32>
        %and3A_138 = arith.constant 1 : i32
        %and3A_139 = vector.broadcast %and3A_138 : i32 to vector<16xi32>
        %and3A_140 = arith.andi %get3A_135, %and3A_139 : vector<16xi32>
        %shift_left3A = arith.constant 1 : i32
        %shift_left3A_141 = vector.broadcast %shift_left3A : i32 to vector<16xi32>
        %shift_left3A_142 = arith.shli %shift_right_logical3A_137, %shift_left3A_141 : vector<16xi32>
        %or3A = arith.ori %shift_left3A_142, %and3A_140 : vector<16xi32>
        %broadcast_in_dim3A_143 = arith.constant true
        %broadcast_in_dim3A_144 = vector.broadcast %broadcast_in_dim3A_143 : i1 to vector<16xi1>
        %unique3A, %unique3A_145 = tpu.scan_count mask(%broadcast_in_dim3A_144 : vector<16xi1>) value(%shift_right_logical3A_137 : vector<16xi32>) : vector<16xi1>, vector<16xi32>
        %broadcast_in_dim3A_146 = arith.constant true
        %broadcast_in_dim3A_147 = vector.broadcast %broadcast_in_dim3A_146 : i1 to vector<16xi1>
        %unique3A_148, %unique3A_149 = tpu.scan_count mask(%broadcast_in_dim3A_147 : vector<16xi1>) value(%or3A : vector<16xi32>) : vector<16xi1>, vector<16xi32>
        %mul3A_150 = arith.constant 2 : i32
        %mul3A_151 = vector.broadcast %mul3A_150 : i32 to vector<16xi32>
        %mul3A_152 = arith.muli %mul3A_151, %and3A_140 : vector<16xi32>
        %sub3A_153 = arith.constant 1 : i32
        %sub3A_154 = vector.broadcast %sub3A_153 : i32 to vector<16xi32>
        %sub3A_155 = arith.subi %sub3A_154, %mul3A_152 : vector<16xi32>
        %mul3A_156 = arith.constant 2 : i32
        %mul3A_157 = vector.broadcast %mul3A_156 : i32 to vector<16xi32>
        %mul3A_158 = arith.muli %mul3A_157, %unique3A_149 : vector<16xi32>
        %sub3A_159 = arith.subi %mul3A_158, %unique3A_145 : vector<16xi32>
        %mul3A_160 = arith.muli %sub3A_155, %sub3A_159 : vector<16xi32>
        %gather3A = tpu.vector_load_idx %arg7[%shift_right_logical3A_137] : memref<65536xi32, #tpu.memory_space<vmem>>[vector<16xi32>], vector<16xi32>,
        %add3A_161 = arith.addi %gather3A, %mul3A_160 : vector<16xi32>
        %convert_element_type3A_162 = arith.sitofp %add3A_161 : vector<16xi32> to vector<16xf32>
        tpu.vector_store_idx %arg7[%shift_right_logical3A_137], %mul3A_160 masked %unique3A {add = true} : memref<65536xi32, #tpu.memory_space<vmem>>[vector<16xi32>], vector<16xi32>, vector<16xi1>
        %shift_right_logical3A_163 = arith.constant 31 : i32
        %shift_right_logical3A_164 = vector.broadcast %shift_right_logical3A_163 : i32 to vector<16xi32>
        %shift_right_logical3A_165 = arith.shrui %get3A_135, %shift_right_logical3A_164 : vector<16xi32>
        %eq3A_166 = arith.constant 0 : i32
        %eq3A_167 = vector.broadcast %eq3A_166 : i32 to vector<16xi32>
        %eq3A_168 = arith.cmpi eq, %shift_right_logical3A_165, %eq3A_167 : vector<16xi32>
        %not3A = arith.constant dense<-1> : vector<16xi32>
        %not3A_169 = arith.xori %get3A_135, %not3A : vector<16xi32>
        %xor3A_170 = arith.constant -2147483648 : i32
        %xor3A_171 = vector.broadcast %xor3A_170 : i32 to vector<16xi32>
        %xor3A_172 = arith.xori %get3A_135, %xor3A_171 : vector<16xi32>
        %select_n3A_173 = arith.select %eq3A_168, %not3A_169, %xor3A_172 : vector<16xi1>, vector<16xi32>
        %bitcast_convert_type3A = tpu.bitcast %select_n3A_173 : vector<16xi32> -> vector<16xf32>
        %convert_element_type3A_174 = arith.sitofp %sub3A_155 : vector<16xi32> to vector<16xf32>
        %mul3A_175 = arith.constant 2.000000e+00 : f32
        %mul3A_176 = vector.broadcast %mul3A_175 : f32 to vector<16xf32>
        %mul3A_177 = arith.mulf %mul3A_176, %convert_element_type3A_174 : vector<16xf32>
        %mul3A_178 = arith.mulf %mul3A_177, %convert_element_type3A_162 : vector<16xf32>
        %sub3A_179 = arith.constant 1.000000e+00 : f32
        %sub3A_180 = vector.broadcast %sub3A_179 : f32 to vector<16xf32>
        %sub3A_181 = arith.subf %sub3A_180, %mul3A_178 : vector<16xf32>
        %mul3A_182 = arith.mulf %bitcast_convert_type3A, %sub3A_181 : vector<16xf32>
        %add3A_183 = arith.addf %scan3A_128, %mul3A_182 : vector<16xf32>
        %mul3A_184 = arith.constant 4 : i32
        %mul3A_185 = arith.muli %scan3A_127, %mul3A_184 : i32
        %add3A_186 = arith.constant 1 : i32
        %add3A_187 = arith.addi %mul3A_185, %add3A_186 : i32
        %mul3A_188 = arith.constant 16 : i32
        %mul3A_189 = arith.muli %add3A_187, %mul3A_188 : i32
        %get3A_190 = arith.index_cast %mul3A_189 : i32 to index
        %get3A_191 = tpu.vector_load %arg10[%get3A_190] {strides = array<i32>} : memref<2048xi32, #tpu.memory_space<vmem>>, vector<16xi32>,
        %shift_right_logical3A_192 = arith.constant 16 : i32
        %shift_right_logical3A_193 = vector.broadcast %shift_right_logical3A_192 : i32 to vector<16xi32>
        %shift_right_logical3A_194 = arith.shrui %get3A_191, %shift_right_logical3A_193 : vector<16xi32>
        %and3A_195 = arith.constant 1 : i32
        %and3A_196 = vector.broadcast %and3A_195 : i32 to vector<16xi32>
        %and3A_197 = arith.andi %get3A_191, %and3A_196 : vector<16xi32>
        %shift_left3A_198 = arith.constant 1 : i32
        %shift_left3A_199 = vector.broadcast %shift_left3A_198 : i32 to vector<16xi32>
        %shift_left3A_200 = arith.shli %shift_right_logical3A_194, %shift_left3A_199 : vector<16xi32>
        %or3A_201 = arith.ori %shift_left3A_200, %and3A_197 : vector<16xi32>
        %broadcast_in_dim3A_202 = arith.constant true
        %broadcast_in_dim3A_203 = vector.broadcast %broadcast_in_dim3A_202 : i1 to vector<16xi1>
        %unique3A_204, %unique3A_205 = tpu.scan_count mask(%broadcast_in_dim3A_203 : vector<16xi1>) value(%shift_right_logical3A_194 : vector<16xi32>) : vector<16xi1>, vector<16xi32>
        %broadcast_in_dim3A_206 = arith.constant true
        %broadcast_in_dim3A_207 = vector.broadcast %broadcast_in_dim3A_206 : i1 to vector<16xi1>
        %unique3A_208, %unique3A_209 = tpu.scan_count mask(%broadcast_in_dim3A_207 : vector<16xi1>) value(%or3A_201 : vector<16xi32>) : vector<16xi1>, vector<16xi32>
        %mul3A_210 = arith.constant 2 : i32
        %mul3A_211 = vector.broadcast %mul3A_210 : i32 to vector<16xi32>
        %mul3A_212 = arith.muli %mul3A_211, %and3A_197 : vector<16xi32>
        %sub3A_213 = arith.constant 1 : i32
        %sub3A_214 = vector.broadcast %sub3A_213 : i32 to vector<16xi32>
        %sub3A_215 = arith.subi %sub3A_214, %mul3A_212 : vector<16xi32>
        %mul3A_216 = arith.constant 2 : i32
        %mul3A_217 = vector.broadcast %mul3A_216 : i32 to vector<16xi32>
        %mul3A_218 = arith.muli %mul3A_217, %unique3A_209 : vector<16xi32>
        %sub3A_219 = arith.subi %mul3A_218, %unique3A_205 : vector<16xi32>
        %mul3A_220 = arith.muli %sub3A_215, %sub3A_219 : vector<16xi32>
        %gather3A_221 = tpu.vector_load_idx %arg7[%shift_right_logical3A_194] : memref<65536xi32, #tpu.memory_space<vmem>>[vector<16xi32>], vector<16xi32>,
        %add3A_222 = arith.addi %gather3A_221, %mul3A_220 : vector<16xi32>
        %convert_element_type3A_223 = arith.sitofp %add3A_222 : vector<16xi32> to vector<16xf32>
        tpu.vector_store_idx %arg7[%shift_right_logical3A_194], %mul3A_220 masked %unique3A_204 {add = true} : memref<65536xi32, #tpu.memory_space<vmem>>[vector<16xi32>], vector<16xi32>, vector<16xi1>
        %shift_right_logical3A_224 = arith.constant 31 : i32
        %shift_right_logical3A_225 = vector.broadcast %shift_right_logical3A_224 : i32 to vector<16xi32>
        %shift_right_logical3A_226 = arith.shrui %get3A_191, %shift_right_logical3A_225 : vector<16xi32>
        %eq3A_227 = arith.constant 0 : i32
        %eq3A_228 = vector.broadcast %eq3A_227 : i32 to vector<16xi32>
        %eq3A_229 = arith.cmpi eq, %shift_right_logical3A_226, %eq3A_228 : vector<16xi32>
        %not3A_230 = arith.constant dense<-1> : vector<16xi32>
        %not3A_231 = arith.xori %get3A_191, %not3A_230 : vector<16xi32>
        %xor3A_232 = arith.constant -2147483648 : i32
        %xor3A_233 = vector.broadcast %xor3A_232 : i32 to vector<16xi32>
        %xor3A_234 = arith.xori %get3A_191, %xor3A_233 : vector<16xi32>
        %select_n3A_235 = arith.select %eq3A_229, %not3A_231, %xor3A_234 : vector<16xi1>, vector<16xi32>
        %bitcast_convert_type3A_236 = tpu.bitcast %select_n3A_235 : vector<16xi32> -> vector<16xf32>
        %convert_element_type3A_237 = arith.sitofp %sub3A_215 : vector<16xi32> to vector<16xf32>
        %mul3A_238 = arith.constant 2.000000e+00 : f32
        %mul3A_239 = vector.broadcast %mul3A_238 : f32 to vector<16xf32>
        %mul3A_240 = arith.mulf %mul3A_239, %convert_element_type3A_237 : vector<16xf32>
        %mul3A_241 = arith.mulf %mul3A_240, %convert_element_type3A_223 : vector<16xf32>
        %sub3A_242 = arith.constant 1.000000e+00 : f32
        %sub3A_243 = vector.broadcast %sub3A_242 : f32 to vector<16xf32>
        %sub3A_244 = arith.subf %sub3A_243, %mul3A_241 : vector<16xf32>
        %mul3A_245 = arith.mulf %bitcast_convert_type3A_236, %sub3A_244 : vector<16xf32>
        %add3A_246 = arith.addf %add3A_183, %mul3A_245 : vector<16xf32>
        %mul3A_247 = arith.constant 4 : i32
        %mul3A_248 = arith.muli %scan3A_127, %mul3A_247 : i32
        %add3A_249 = arith.constant 2 : i32
        %add3A_250 = arith.addi %mul3A_248, %add3A_249 : i32
        %mul3A_251 = arith.constant 16 : i32
        %mul3A_252 = arith.muli %add3A_250, %mul3A_251 : i32
        %get3A_253 = arith.index_cast %mul3A_252 : i32 to index
        %get3A_254 = tpu.vector_load %arg10[%get3A_253] {strides = array<i32>} : memref<2048xi32, #tpu.memory_space<vmem>>, vector<16xi32>,
        %shift_right_logical3A_255 = arith.constant 16 : i32
        %shift_right_logical3A_256 = vector.broadcast %shift_right_logical3A_255 : i32 to vector<16xi32>
        %shift_right_logical3A_257 = arith.shrui %get3A_254, %shift_right_logical3A_256 : vector<16xi32>
        %and3A_258 = arith.constant 1 : i32
        %and3A_259 = vector.broadcast %and3A_258 : i32 to vector<16xi32>
        %and3A_260 = arith.andi %get3A_254, %and3A_259 : vector<16xi32>
        %shift_left3A_261 = arith.constant 1 : i32
        %shift_left3A_262 = vector.broadcast %shift_left3A_261 : i32 to vector<16xi32>
        %shift_left3A_263 = arith.shli %shift_right_logical3A_257, %shift_left3A_262 : vector<16xi32>
        %or3A_264 = arith.ori %shift_left3A_263, %and3A_260 : vector<16xi32>
        %broadcast_in_dim3A_265 = arith.constant true
        %broadcast_in_dim3A_266 = vector.broadcast %broadcast_in_dim3A_265 : i1 to vector<16xi1>
        %unique3A_267, %unique3A_268 = tpu.scan_count mask(%broadcast_in_dim3A_266 : vector<16xi1>) value(%shift_right_logical3A_257 : vector<16xi32>) : vector<16xi1>, vector<16xi32>
        %broadcast_in_dim3A_269 = arith.constant true
        %broadcast_in_dim3A_270 = vector.broadcast %broadcast_in_dim3A_269 : i1 to vector<16xi1>
        %unique3A_271, %unique3A_272 = tpu.scan_count mask(%broadcast_in_dim3A_270 : vector<16xi1>) value(%or3A_264 : vector<16xi32>) : vector<16xi1>, vector<16xi32>
        %mul3A_273 = arith.constant 2 : i32
        %mul3A_274 = vector.broadcast %mul3A_273 : i32 to vector<16xi32>
        %mul3A_275 = arith.muli %mul3A_274, %and3A_260 : vector<16xi32>
        %sub3A_276 = arith.constant 1 : i32
        %sub3A_277 = vector.broadcast %sub3A_276 : i32 to vector<16xi32>
        %sub3A_278 = arith.subi %sub3A_277, %mul3A_275 : vector<16xi32>
        %mul3A_279 = arith.constant 2 : i32
        %mul3A_280 = vector.broadcast %mul3A_279 : i32 to vector<16xi32>
        %mul3A_281 = arith.muli %mul3A_280, %unique3A_272 : vector<16xi32>
        %sub3A_282 = arith.subi %mul3A_281, %unique3A_268 : vector<16xi32>
        %mul3A_283 = arith.muli %sub3A_278, %sub3A_282 : vector<16xi32>
        %gather3A_284 = tpu.vector_load_idx %arg7[%shift_right_logical3A_257] : memref<65536xi32, #tpu.memory_space<vmem>>[vector<16xi32>], vector<16xi32>,
        %add3A_285 = arith.addi %gather3A_284, %mul3A_283 : vector<16xi32>
        %convert_element_type3A_286 = arith.sitofp %add3A_285 : vector<16xi32> to vector<16xf32>
        tpu.vector_store_idx %arg7[%shift_right_logical3A_257], %mul3A_283 masked %unique3A_267 {add = true} : memref<65536xi32, #tpu.memory_space<vmem>>[vector<16xi32>], vector<16xi32>, vector<16xi1>
        %shift_right_logical3A_287 = arith.constant 31 : i32
        %shift_right_logical3A_288 = vector.broadcast %shift_right_logical3A_287 : i32 to vector<16xi32>
        %shift_right_logical3A_289 = arith.shrui %get3A_254, %shift_right_logical3A_288 : vector<16xi32>
        %eq3A_290 = arith.constant 0 : i32
        %eq3A_291 = vector.broadcast %eq3A_290 : i32 to vector<16xi32>
        %eq3A_292 = arith.cmpi eq, %shift_right_logical3A_289, %eq3A_291 : vector<16xi32>
        %not3A_293 = arith.constant dense<-1> : vector<16xi32>
        %not3A_294 = arith.xori %get3A_254, %not3A_293 : vector<16xi32>
        %xor3A_295 = arith.constant -2147483648 : i32
        %xor3A_296 = vector.broadcast %xor3A_295 : i32 to vector<16xi32>
        %xor3A_297 = arith.xori %get3A_254, %xor3A_296 : vector<16xi32>
        %select_n3A_298 = arith.select %eq3A_292, %not3A_294, %xor3A_297 : vector<16xi1>, vector<16xi32>
        %bitcast_convert_type3A_299 = tpu.bitcast %select_n3A_298 : vector<16xi32> -> vector<16xf32>
        %convert_element_type3A_300 = arith.sitofp %sub3A_278 : vector<16xi32> to vector<16xf32>
        %mul3A_301 = arith.constant 2.000000e+00 : f32
        %mul3A_302 = vector.broadcast %mul3A_301 : f32 to vector<16xf32>
        %mul3A_303 = arith.mulf %mul3A_302, %convert_element_type3A_300 : vector<16xf32>
        %mul3A_304 = arith.mulf %mul3A_303, %convert_element_type3A_286 : vector<16xf32>
        %sub3A_305 = arith.constant 1.000000e+00 : f32
        %sub3A_306 = vector.broadcast %sub3A_305 : f32 to vector<16xf32>
        %sub3A_307 = arith.subf %sub3A_306, %mul3A_304 : vector<16xf32>
        %mul3A_308 = arith.mulf %bitcast_convert_type3A_299, %sub3A_307 : vector<16xf32>
        %add3A_309 = arith.addf %add3A_246, %mul3A_308 : vector<16xf32>
        %mul3A_310 = arith.constant 4 : i32
        %mul3A_311 = arith.muli %scan3A_127, %mul3A_310 : i32
        %add3A_312 = arith.constant 3 : i32
        %add3A_313 = arith.addi %mul3A_311, %add3A_312 : i32
        %mul3A_314 = arith.constant 16 : i32
        %mul3A_315 = arith.muli %add3A_313, %mul3A_314 : i32
        %get3A_316 = arith.index_cast %mul3A_315 : i32 to index
        %get3A_317 = tpu.vector_load %arg10[%get3A_316] {strides = array<i32>} : memref<2048xi32, #tpu.memory_space<vmem>>, vector<16xi32>,
        %shift_right_logical3A_318 = arith.constant 16 : i32
        %shift_right_logical3A_319 = vector.broadcast %shift_right_logical3A_318 : i32 to vector<16xi32>
        %shift_right_logical3A_320 = arith.shrui %get3A_317, %shift_right_logical3A_319 : vector<16xi32>
        %and3A_321 = arith.constant 1 : i32
        %and3A_322 = vector.broadcast %and3A_321 : i32 to vector<16xi32>
        %and3A_323 = arith.andi %get3A_317, %and3A_322 : vector<16xi32>
        %shift_left3A_324 = arith.constant 1 : i32
        %shift_left3A_325 = vector.broadcast %shift_left3A_324 : i32 to vector<16xi32>
        %shift_left3A_326 = arith.shli %shift_right_logical3A_320, %shift_left3A_325 : vector<16xi32>
        %or3A_327 = arith.ori %shift_left3A_326, %and3A_323 : vector<16xi32>
        %broadcast_in_dim3A_328 = arith.constant true
        %broadcast_in_dim3A_329 = vector.broadcast %broadcast_in_dim3A_328 : i1 to vector<16xi1>
        %unique3A_330, %unique3A_331 = tpu.scan_count mask(%broadcast_in_dim3A_329 : vector<16xi1>) value(%shift_right_logical3A_320 : vector<16xi32>) : vector<16xi1>, vector<16xi32>
        %broadcast_in_dim3A_332 = arith.constant true
        %broadcast_in_dim3A_333 = vector.broadcast %broadcast_in_dim3A_332 : i1 to vector<16xi1>
        %unique3A_334, %unique3A_335 = tpu.scan_count mask(%broadcast_in_dim3A_333 : vector<16xi1>) value(%or3A_327 : vector<16xi32>) : vector<16xi1>, vector<16xi32>
        %mul3A_336 = arith.constant 2 : i32
        %mul3A_337 = vector.broadcast %mul3A_336 : i32 to vector<16xi32>
        %mul3A_338 = arith.muli %mul3A_337, %and3A_323 : vector<16xi32>
        %sub3A_339 = arith.constant 1 : i32
        %sub3A_340 = vector.broadcast %sub3A_339 : i32 to vector<16xi32>
        %sub3A_341 = arith.subi %sub3A_340, %mul3A_338 : vector<16xi32>
        %mul3A_342 = arith.constant 2 : i32
        %mul3A_343 = vector.broadcast %mul3A_342 : i32 to vector<16xi32>
        %mul3A_344 = arith.muli %mul3A_343, %unique3A_335 : vector<16xi32>
        %sub3A_345 = arith.subi %mul3A_344, %unique3A_331 : vector<16xi32>
        %mul3A_346 = arith.muli %sub3A_341, %sub3A_345 : vector<16xi32>
        %gather3A_347 = tpu.vector_load_idx %arg7[%shift_right_logical3A_320] : memref<65536xi32, #tpu.memory_space<vmem>>[vector<16xi32>], vector<16xi32>,
        %add3A_348 = arith.addi %gather3A_347, %mul3A_346 : vector<16xi32>
        %convert_element_type3A_349 = arith.sitofp %add3A_348 : vector<16xi32> to vector<16xf32>
        tpu.vector_store_idx %arg7[%shift_right_logical3A_320], %mul3A_346 masked %unique3A_330 {add = true} : memref<65536xi32, #tpu.memory_space<vmem>>[vector<16xi32>], vector<16xi32>, vector<16xi1>
        %shift_right_logical3A_350 = arith.constant 31 : i32
        %shift_right_logical3A_351 = vector.broadcast %shift_right_logical3A_350 : i32 to vector<16xi32>
        %shift_right_logical3A_352 = arith.shrui %get3A_317, %shift_right_logical3A_351 : vector<16xi32>
        %eq3A_353 = arith.constant 0 : i32
        %eq3A_354 = vector.broadcast %eq3A_353 : i32 to vector<16xi32>
        %eq3A_355 = arith.cmpi eq, %shift_right_logical3A_352, %eq3A_354 : vector<16xi32>
        %not3A_356 = arith.constant dense<-1> : vector<16xi32>
        %not3A_357 = arith.xori %get3A_317, %not3A_356 : vector<16xi32>
        %xor3A_358 = arith.constant -2147483648 : i32
        %xor3A_359 = vector.broadcast %xor3A_358 : i32 to vector<16xi32>
        %xor3A_360 = arith.xori %get3A_317, %xor3A_359 : vector<16xi32>
        %select_n3A_361 = arith.select %eq3A_355, %not3A_357, %xor3A_360 : vector<16xi1>, vector<16xi32>
        %bitcast_convert_type3A_362 = tpu.bitcast %select_n3A_361 : vector<16xi32> -> vector<16xf32>
        %convert_element_type3A_363 = arith.sitofp %sub3A_341 : vector<16xi32> to vector<16xf32>
        %mul3A_364 = arith.constant 2.000000e+00 : f32
        %mul3A_365 = vector.broadcast %mul3A_364 : f32 to vector<16xf32>
        %mul3A_366 = arith.mulf %mul3A_365, %convert_element_type3A_363 : vector<16xf32>
        %mul3A_367 = arith.mulf %mul3A_366, %convert_element_type3A_349 : vector<16xf32>
        %sub3A_368 = arith.constant 1.000000e+00 : f32
        %sub3A_369 = vector.broadcast %sub3A_368 : f32 to vector<16xf32>
        %sub3A_370 = arith.subf %sub3A_369, %mul3A_367 : vector<16xf32>
        %mul3A_371 = arith.mulf %bitcast_convert_type3A_362, %sub3A_370 : vector<16xf32>
        %add3A_372 = arith.addf %add3A_309, %mul3A_371 : vector<16xf32>
        scf.yield %add3A_372 : vector<16xf32>
      }
      %scan3A_126 = arith.constant 32 : i32
      scf.yield %scan3A_125 : vector<16xf32>
    }
    %scan3A_98 = arith.constant 64 : i32
    %reduce_sum3A = arith.constant true
    %reduce_sum3A_99 = vector.broadcast %reduce_sum3A : i1 to vector<16xi1>
    %reduce_sum3A_100 = tpu.scan <sum>, %scan3A_97 masked %reduce_sum3A_99 : vector<16xf32>, vector<16xi1> -> vector<16xf32>
    %reduce_sum3A_101 = vector.extract %reduce_sum3A_100[15] : f32 from vector<16xf32>
    %eq3A_102 = arith.constant 0 : i32
    %eq3A_103 = vector.broadcast %eq3A_102 : i32 to vector<16xi32>
    %eq3A_104 = arith.cmpi eq, %iota3A, %eq3A_103 : vector<16xi32>
    %jit3A_105 = arith.constant 0.000000e+00 : f32
    %broadcast_in_dim3A_106 = vector.broadcast %reduce_sum3A_101 : f32 to vector<16xf32>
    %broadcast_in_dim3A_107 = vector.broadcast %jit3A_105 : f32 to vector<16xf32>
    %select_n3A_108 = arith.select %eq3A_104, %broadcast_in_dim3A_106, %broadcast_in_dim3A_107 : vector<16xi1>, vector<16xf32>
    %swap3A_109 = arith.constant 0 : index
    %swap3A_110 = tpu.vector_load %arg9[%swap3A_109] {strides = array<i32>} : memref<2048xf32, #tpu.memory_space<vmem>>, vector<16xf32>,
    tpu.vector_store %arg9[%swap3A_109], %select_n3A_108 {strides = array<i32>} : memref<2048xf32, #tpu.memory_space<vmem>>, vector<16xf32>,
    %mul3A_111 = arith.constant 16 : i32
    %mul3A_112 = arith.muli %arg0, %mul3A_111 : i32
    %add3A_113 = arith.addi %mul3A_112, %arg1 : i32
    %mul3A_114 = arith.constant 16 : i32
    %mul3A_115 = arith.muli %add3A_113, %mul3A_114 : i32
    "tpu.region"() ({
      %run_scoped3A = tpu.sem_alloc : memref<!tpu.dma_semaphore, #tpu.memory_space<semaphore_mem>>
      %dma_start3A = arith.constant 0 : i32
      %dma_start3A_116 = tpu.memref_slice %arg9[%dma_start3A] : memref<2048xf32, #tpu.memory_space<vmem>> -> memref<16xf32, #tpu.memory_space<vmem>>
      %dma_start3A_117 = tpu.memref_slice %arg4[%mul3A_115] : memref<512xf32, #tpu.memory_space<hbm>> -> memref<16xf32, #tpu.memory_space<hbm>>
      %dma_start3A_118 = tpu.memref_slice %arg4[%mul3A_115] : memref<512xf32, #tpu.memory_space<hbm>> -> memref<16xf32, #tpu.memory_space<hbm>>
      %dma_start3A_119 = arith.constant 0 : i32
      %dma_start3A_120 = tpu.memref_slice %arg9[%dma_start3A_119] : memref<2048xf32, #tpu.memory_space<vmem>> -> memref<16xf32, #tpu.memory_space<vmem>>
      tpu.enqueue_dma source(%dma_start3A_120 : memref<16xf32, #tpu.memory_space<vmem>>) target(%dma_start3A_118 : memref<16xf32, #tpu.memory_space<hbm>>) target_semaphore(%run_scoped3A : memref<!tpu.dma_semaphore, #tpu.memory_space<semaphore_mem>>)
      %dma_wait3A = arith.constant 0 : i32
      %dma_wait3A_121 = tpu.memref_slice %arg9[%dma_wait3A] : memref<2048xf32, #tpu.memory_space<vmem>> -> memref<16xf32, #tpu.memory_space<vmem>>
      %dma_wait3A_122 = tpu.memref_slice %arg4[%mul3A_115] : memref<512xf32, #tpu.memory_space<hbm>> -> memref<16xf32, #tpu.memory_space<hbm>>
      %dma_wait3A_123 = tpu.memref_slice %arg4[%mul3A_115] : memref<512xf32, #tpu.memory_space<hbm>> -> memref<16xf32, #tpu.memory_space<hbm>>
      %dma_wait3A_124 = arith.constant 0 : i32
      %dma_wait3A_125 = tpu.memref_slice %arg9[%dma_wait3A_124] : memref<2048xf32, #tpu.memory_space<vmem>> -> memref<16xf32, #tpu.memory_space<vmem>>
      tpu.wait_dma2 semaphore(%run_scoped3A : memref<!tpu.dma_semaphore, #tpu.memory_space<semaphore_mem>>) src(%dma_wait3A_125 : memref<16xf32, #tpu.memory_space<vmem>>) dst(%dma_wait3A_123 : memref<16xf32, #tpu.memory_space<hbm>>)
      tpu.yield
    }) : () -> ()
    return
  }
}

</mosaic_0001>

<sc_bundles>
// kernel: kernel.3.cloned.1.call-start
scs
__scs_entry_jumppad:
0x0: {  	(pc) =	sbr.rel $0x88, $3  }
0x1: {  	(tag) =	ssettag $0x0;
	lr =	simm.s32 $0x1  }
0x2: {  	[smem:$0x3F9F] =	sst lr;
	_ =	strace $0xD0000000  }
0x3: {  	_ = 	snop  }
0x4: {  	_ = 	snop  }
0x5: {  	_ = 	snop  }
0x6: {  	_ = 	snop  }
0x7: {  	_ = 	snop  }
__scs_overlays_trampoline_lowered:
0x8: {  	[smem:$0x3FAE] =	sst s0  }
0x9: {  	[smem:$0x3FAF] =	sst s1  }
0xa: {  	[smem:$0x3FB0] =	sst s2  }
0xb: {  	[smem:$0x3FB1] =	sst s3  }
0xc: {  	[smem:$0x3FB2] =	sst s4  }
0xd: {  	[smem:$0x3FB3] =	sst s5  }
0xe: {  	[smem:$0x3FB4] =	sst s6  }
0xf: {  	[smem:$0x3FB5] =	sst s7  }
0x10: {  	[smem:$0x3FB6] =	sst s8  }
0x11: {  	[smem:$0x3FB7] =	sst s9;
	s0 =	simm.s32 @!p0 $0x0  }
0x12: {  	s1 =	sld [smem:$0x3F9D];
	s0 =	simm.s32 @p0 $0x1  }
0x13: {  	[smem:$0x3FB8] =	sst s0;
	s0 =	simm.s32 @!p1 $0x0  }
0x14: {  	s2 =	sld [smem:$0x3F9C];
	s0 =	simm.s32 @p1 $0x1  }
0x15: {  	[smem:$0x3FB9] =	sst s0;
	s0 =	simm.s32 @!p2 $0x0  }
0x16: {  	s3 =	sld [smem:$0x3FDB];
	s0 =	simm.s32 @p2 $0x1  }
0x17: {  	s4 =	simm.s32 $0x1BF5;
	[smem:$0x3FBB] =	sst s0  }
0x18: {  	s0 =	sld [smem:$0x3F9E];
	_ =	swait.ge [sflag:s4], $0x0  }
0x19: {  	s7 =	sld [smem:$0x3F9F]  }
0x1a: {  	s8 =	sadd.s32 $0xFFFFE003, lr  }
0x1b: {  	s9 =	sadd.s32 $0xFFFFFEF7, lr;
	s5 =	simm.s32 $0xFFFFFFFF;
	p2 =	slt.u32 s8, $0xFFFFF086  }
0x1c: {  	p1 =	slt.u32 s9, $0xF7A;
	s5 =	simm.s32 @!p2 $0x0  }
0x1d: {  	s5 =	simm.s32 @p1 $0x1;
	p0 =	seq.s32 s7, s2  }
0x1e: {  	s7 =	smul.u32 @!p0 $0xF7A, s2;
	p2 =	seq.s32 @!p0 s5, $0x0  }
0x1f: {  	s9 =	smul.u32 $0xF7A, s1;
	s8 =	simm.s32 @!p0 $0x1BF5;
	p2 =	por !p2, p0  }
0x20: {  	[sflag:s8] =	ssyncset.s32 @!p0 $0xFFFFF086;
	s6 =	sadd.s32 @!p0 s3, s7;
	s7 =	simm.s32 @!p0 $0x108  }
0x21: {  	s3 =	sadd.s32 s3, s9;
	s6 =	sadd.s32 @!p0 $0x88, s6;
	s7 =	simm.s32 @p2 $0x1082  }
0x22: {  	[simem:s7], [sflag:s8] =	dma.local @!p0 [hbm:s6], $0xF7A  }
0x23: {  	s9 =	sor.u32 $0xD0000000, s2;
	s6 =	simm.s32 $0x108;
	_ =	swait.ge @!p0 [sflag:s8], $0x0  }
0x24: {  	s3 =	sadd.s32 $0x88, s3;
	s6 =	simm.s32 @!p1 $0x1082;
	[sflag:s4] =	ssyncset.s32 $0xFFFFF086  }
0x25: {  	[simem:s6], [sflag:s4] =	dma.local [hbm:s3], $0xF7A  }
0x26: {  	[smem:$0x3F9F] =	sst s1;
	(tag) =	ssettag s2;
	_ =	strace s9  }
0x27: {  	s1 =	sld [smem:$0x3FAF]  }
0x28: {  	s2 =	sld [smem:$0x3FB0]  }
0x29: {  	s4 =	sld [smem:$0x3FB2]  }
0x2a: {  	p0 =	seq.s32 s5, $0x0;
	s5 =	sld [smem:$0x3FB3]  }
0x2b: {  	s6 =	sld [smem:$0x3FB4]  }
0x2c: {  	s7 =	sld [smem:$0x3FB5]  }
0x2d: {  	s3 =	simm.s32 $0x108;
	s8 =	sld [smem:$0x3FB6]  }
0x2e: {  	s3 =	simm.s32 @!p0 $0x1082;
	s9 =	sld [smem:$0x3FB7]  }
0x2f: {  	lr =	sadd.s32 s0, s3;
	s0 =	sld [smem:$0x3FAE]  }
0x30: {  	s3 =	sld [smem:$0x3FB1]  }
0x31: {  	[smem:$0x3FBA] =	sst s10  }
0x32: {  	s10 =	sld [smem:$0x3FB8];
	_ =	sdelay $0x3  }
0x33: {  	p0 =	seq.s32 s10, $0x1;
	s10 =	sld [smem:$0x3FBA];
	_ =	sdelay $0x3  }
0x34: {  	[smem:$0x3FBA] =	sst s10  }
0x35: {  	s10 =	sld [smem:$0x3FB9];
	_ =	sdelay $0x3  }
0x36: {  	p1 =	seq.s32 s10, $0x1;
	s10 =	sld [smem:$0x3FBA];
	_ =	sdelay $0x3  }
0x37: {  	[smem:$0x3FBA] =	sst s10  }
0x38: {  	s10 =	sld [smem:$0x3FBB]  }
0x39: {  	_ = 	snop;
	(pc) =	sbr.ind lr, $3  }
0x3a: {  	_ = 	snop  }
0x3b: {  	_ = 	snop  }
0x3c: {  	p2 =	seq.s32 s10, $0x1;
	s10 =	sld [smem:$0x3FBA]  }
0x3d: {  	_ =	shalt  }
0x3e: {  	_ =	shalt  }
0x3f: {  	_ =	shalt  }
0x40: {  	_ =	shalt  }
0x41: {  	_ =	shalt  }
0x42: {  	_ =	shalt  }
0x43: {  	_ =	shalt  }
0x44: {  	_ =	shalt  }
0x45: {  	_ =	shalt  }
0x46: {  	_ =	shalt  }
0x47: {  	_ =	shalt  }
0x48: {  	_ =	shalt  }
0x49: {  	_ =	shalt  }
0x4a: {  	_ =	shalt  }
0x4b: {  	_ =	shalt  }
0x4c: {  	_ =	shalt  }
0x4d: {  	_ =	shalt  }
0x4e: {  	_ =	shalt  }
0x4f: {  	_ =	shalt  }
0x50: {  	_ =	shalt  }
0x51: {  	_ =	shalt  }
0x52: {  	_ =	shalt  }
0x53: {  	_ =	shalt  }
0x54: {  	_ =	shalt  }
0x55: {  	_ =	shalt  }
0x56: {  	_ =	shalt  }
0x57: {  	_ =	shalt  }
0x58: {  	_ =	shalt  }
0x59: {  	_ =	shalt  }
0x5a: {  	_ =	shalt  }
0x5b: {  	_ =	shalt  }
0x5c: {  	_ =	shalt  }
0x5d: {  	_ =	shalt  }
0x5e: {  	_ =	shalt  }
0x5f: {  	_ =	shalt  }
0x60: {  	_ =	shalt  }
0x61: {  	_ =	shalt  }
0x62: {  	_ =	shalt  }
0x63: {  	_ =	shalt  }
0x64: {  	_ =	shalt  }
0x65: {  	_ =	shalt  }
0x66: {  	_ =	shalt  }
0x67: {  	_ =	shalt  }
0x68: {  	_ =	shalt  }
0x69: {  	_ =	shalt  }
0x6a: {  	_ =	shalt  }
0x6b: {  	_ =	shalt  }
0x6c: {  	_ =	shalt  }
0x6d: {  	_ =	shalt  }
0x6e: {  	_ =	shalt  }
0x6f: {  	_ =	shalt  }
0x70: {  	_ =	shalt  }
0x71: {  	_ =	shalt  }
0x72: {  	_ =	shalt  }
0x73: {  	_ =	shalt  }
0x74: {  	_ =	shalt  }
0x75: {  	_ =	shalt  }
0x76: {  	_ =	shalt  }
0x77: {  	_ =	shalt  }
0x78: {  	_ =	shalt  }
0x79: {  	_ =	shalt  }
0x7a: {  	_ =	shalt  }
0x7b: {  	_ =	shalt  }
0x7c: {  	_ =	shalt  }
0x7d: {  	_ =	shalt  }
0x7e: {  	_ =	shalt  }
0x7f: {  	_ =	shalt  }
0x80: {  	_ =	shalt  }
0x81: {  	_ =	shalt  }
0x82: {  	_ =	shalt  }
0x83: {  	_ =	shalt  }
0x84: {  	_ =	shalt  }
0x85: {  	_ =	shalt  }
0x86: {  	_ =	shalt  }
0x87: {  	_ =	shalt  }
.Lfunc_end0:
.L_simem_size_0:
called_computation_lowered:
.L_overlay_start_0:
0x88: {  	s2 =	sld [smem:$0x3FD9]  }
0x89: {  	s3 =	sld [smem:$0x3FFE];
	_ =	sdelay $0x1  }
0x8a: {  	s1 =	srdreg.scid  }
0x8b: {  	s0 =	sand.u32 $0x1, s1  }
0x8c: {  	s16 =	sshll.u32 s0, $0xA;
	s2 =	sadd.s32 s3, s2  }
0x8d: {  	s2 =	sadd.s32 s2, s16  }
0x8e: {  	[smem:$0x3FC6] =	sst s2  }
0x8f: {  	_ = 	snop  }
0x90: {  	(tm) =	ssettm $0x1  }
0x91: {  	s17 =	sld [smem:$0x3FFB];
	_ =	sdelay $0x3  }
0x92: {  	_ =	strace s17  }
0x93: {  	s2 =	sld [smem:$0x3FFC];
	_ =	sdelay $0x3  }
0x94: {  	_ =	strace s2  }
0x95: {  	s2 =	sld [smem:$0x3FFD];
	_ =	sdelay $0x3  }
0x96: {  	_ =	strace s2  }
0x97: {  	_ =	strace $0x8FFFFFFF  }
0x98: {  	s18 =	sld [smem:$0x3FDB];
	_ =	sdelay $0x1  }
0x99: {  	s19 =	simm.s32 $_scs_section_size  }
0x9a: {  	s4 =	simm.s32 $_size__tile_overlayer_lowered;
	s5 =	simm.s32 $_tile_overlayer_lowered  }
0x9b: {  	s22 =	simm.s32 $0x1BFF;
	s21 =	sshll.u32 s5, $0x1;
	s2 =	sadd.s32 s19, s18  }
0x9c: {  	s6 =	simm.s32 $0x0;
	s20 =	sshll.u32 s4, $0x1;
	s4 =	sadd.s32 s21, s2  }
0x9d: {  	[timem:s6], [sflag:s22] =	dma.local [hbm:s4], s20  }
0x9e: {  	_ =	swait.ge [sflag:s22], s20  }
0x9f: {  	s3 =	ssub.s32 $0x0, s20;
	[sflag:s22] =	ssyncset.done $0x0  }
0xa0: {  	[sflag:s22] =	ssyncadd.s32 s3;
	_ =	sdelay $0x1  }
0xa1: {  	s23 =	simm.s32 $0x1B8B  }
0xa2: {  	_ =	swait.ge [sflag:s23], $0x1  }
0xa3: {  	[sflag:s23] =	ssyncset.done $0x0  }
0xa4: {  	s25 =	simm.s32 $0x1B8E;
	s24 =	sld [smem:$0x3FFE];
	[sflag:s23] =	ssyncadd.s32 $0xFFFFFFFF  }
0xa5: {  	s26 =	simm.s32 $execute0_lowered;
	[smem:$0x3FD2] =	sst s25  }
0xa6: {  	s4 =	sshll.u32 s26, $0x1;
	_ =	strace $0x80000046;
	[dreg:$0x1] =	wrdreg $0xFFFFFFFF  }
0xa7: {  	s28 =	simm.s32 $_size_execute0_lowered;
	s2 =	sadd.s32 s2, s4;
	[dreg:$0x0] =	wrdreg $0x0  }
0xa8: {  	s4 =	sshll.u32 s28, $0x1;
	[dreg:$0x2] =	wrdreg s2  }
0xa9: {  	[dreg:$0x3] =	wrdreg s4  }
0xaa: {  	[dreg:$0x4] =	wrdreg $0xC0  }
0xab: {  	_ =	task [dreg:s6], $0x5FFFF  }
0xac: {  	[dreg:$0x1] =	wrdreg $0xFFFFFFFF  }
0xad: {  	[dreg:$0x0] =	wrdreg $0x60  }
0xae: {  	[dreg:$0x2] =	wrdreg s24  }
0xaf: {  	[dreg:$0x3] =	wrdreg $0x138000  }
0xb0: {  	[dreg:$0x4] =	wrdreg $0x9  }
0xb1: {  	_ =	task.clear_ibuf [dreg:s6], $0x5FFFF;
	_ =	strace $0x90000046  }
0xb2: {  	s29 =	simm.s32 $0x9;
	_ =	strace $0x80000048  }
0xb3: {  	_ =	swait.ge [sflag:s29], $0x1  }
0xb4: {  	[sflag:s29] =	ssyncadd.s32 $0xFFFFFFFF  }
0xb5: {  	_ =	strace $0x90000048  }
0xb6: {  	_ =	sfence  }
0xb7: {  	s30 =	sld [smem:$0x0];
	_ =	sdelay $0x2  }
0xb8: {  	s31 =	sshll.u32 s1, $0xD;
	s1 =	sshrl.u32 s1, $0x2  }
0xb9: {  	s3 =	sand.u32 $0x4000, s31;
	s1 =	sadd.s32 s1, s30  }
0xba: {  	s0 =	sor.u32 s3, s0;
	s1 =	sshll.u32 s1, $0x11  }
0xbb: {  	s0 =	sor.u32 s1, s0  }
0xbc: {  	s0 =	sadd.s32 $0x8F2B, s0  }
0xbd: {  	[sflag:s0] =	ssyncadd.remote.s32 $0x1  }
0xbe: {  	_ =	sfence.sel $0xFFFF  }
0xbf: {  	[dreg:$0x0] =	wrdreg $0xFFFFFFFF;
	(pc) =	sbr.abs _section_cstart, $3  }
0xc0: {  	[dreg:$0x1] =	wrdreg $0xFFFFFFFF  }
0xc1: {  	_ =	task.clear_ibuf [dreg:s6], $0x2FFFF;
	_ =	strace $0x9FFFFFFF  }
0xc2: {  	(tm) =	ssettm $0x7FFFFFFF  }
0xc3: {  	_ =	shalt  }
tec
execute0_lowered:
.L_overlay_start_1:
0x0: {  	(tag) =	ssettag $0x1  }
0x1: {  	s7 =	rddreg [dreg:$0x0]  }
0x2: {  	s10 =	rddreg [dreg:$0x1];
	s2 =	simm.s32 $0x0  }
0x3: {  	s1 =	stileid.u32;
	s6 =	srdreg.scid;
	s18 =	simm.s32 $0x400  }
0x4: {  	s19 =	simm.s32 $0x800;
	s20 =	simm.s32 $0x13000;
	s21 =	simm.s32 $0x1  }
0x5: {  	[smem:$0x7FF] =	sst s2;
	s3 =	sadd.s32 $0x800, s7;
	s5 =	sshll.u32 s1, $0x1  }
0x6: {  	s4 =	sadd.s32 $0x40800, s7;
	s11 =	sand.u32 $0x1, s6;
	s8 =	sshrl.u32 s1, $0x1  }
0x7: {  	s22 =	sand.u32 $0x1, s1;
	s29 =	sshll.u32 s1, $0xD;
	s16 =	sshll.u32 s1, $0x7  }
0x8: {  	_ =	strace $0x80000047;
	s12 =	sadd.s32 s5, s7;
	s5 =	sadd.s32 $0x80800, s7  }
0x9: {  	s6 =	sshll.u32 s11, $0x3;
	s9 =	ssub.s32 $0x2, s11;
	s14 =	sshll.u32 s22, $0x11  }
0xa: {  	s7 =	sadd.s32 $0x100800, s7;
	p0 =	seq.s32 s22, $0x1;
	s30 =	sand.u32 $0x10000, s29  }
0xb: {  	s31 =	sand.u32 $0x380, s16;
	s17 =	sshll.u32 s11, $0x5;
	p1 =	seq.s32 s22, $0x0  }
0xc: {  	v0 =	vmov s22;
	s22 =	simm.s32 $0x0;
	s13 =	sor.u32 s8, s6;
	s28 =	sshrl.u32 s9, $0x1  }
0xd: {  	s16 =	sxor.u32 $0x80, s31;
	s12 =	sadd.s32 s17, s12;
	s17 =	simm.s32 $0x80  }
0xe: {  	s6 =	sshll.u32 s13, $0x12;
	s15 =	ssub.s32 s9, s28;
	s9 =	sshll.u32 s13, $0x11  }
0xf: {  	s13 =	sadd.s32 s30, s10;
	s12 =	sadd.s32 $0x180800, s12;
	s8 =	sor.u32 s14, s6  }
0x10: {  	s10 =	sadd.s32 s31, s13;
	s11 =	sadd.s32 s16, s13;
	s13 =	smax.u32 s15, $0x1  }
0x11: {  	v1 =	vimm.s32 $0x0;
	v2 =	vimm.s32 $0x80000000;
	s14 =	simm.s32 $0x12000;
	s15 =	simm.s32 $0x2;
	s16 =	simm.s32 $0x12800  }
.LBB2_1:
0x12: {  	s23 =	simm.s32 $0x40;
	s24 =	simm.s32 $0x0  }
.LBB2_2:
0x13: {  	p2 =	sne.s32 s23, $0x3FFC0;
	[tilespmem:s24+$0x0] =	vst v1;
	s24 =	smov.u32 s23;
	s23 =	sadd.s32 $0x40, s23  }
.Ltmp0:
0x14: {  	(pc) =	sbr.rel @p2 .LBB2_2-.Ltmp0, $2  }
0x15: {  	_ =	sdelay $0x2  }
0x16: {  	s24 =	sshra.s32 s24, $0x2  }
.Ltmp1:
0x17: {  	(pc) =	sbr.rel @p0 .LBB2_9-.Ltmp1, $2  }
0x18: {  	_ =	sdelay $0x2  }
0x19: {  	[tilespmem:s24+$0x0] =	vst v1  }
0x1a: {  	s23 =	simm.s32 $0x0;
	s24 =	simm.s32 $0x0  }
.LBB2_5:
0x1b: {  	s25 =	sshll.u32 s24, $0xB  }
0x1c: {  	s26 =	sadd.s32 s9, s25  }
0x1d: {  	s26 =	sshrl.u32 s26, $0x3  }
0x1e: {  	s26 =	sadd.s32 s3, s26  }
0x1f: {  	[tilespmem:s14], [sflag:$0x2] =	stream.linear.gather [hbm4b:s26+s23], $0x800, $0x38;
	[tilespmem:$0x15800] =	vst v63  }
0x20: {  	_ =	swait.ge [sflag:s15], $0x800  }
0x21: {  	[sflag:s15] =	ssyncset.done $0x0  }
0x22: {  	s26 =	simm.s32 $0x0;
	[sflag:s15] =	ssyncadd.s32 $0xFFFFF800  }
.LBB2_6:
0x23: {  	s28 =	sshra.s32 s26, $0x2  }
0x24: {  	v3 =	vld [tilespmem:s28+$0x12000];
	_ =	sdelay $0x4  }
0x25: {  	v4 =	vxor.u32 $0xFFFFFFFF, v3;
	v5 =	vor.u32 $0x80000000, v3;
	vm0 =	vlt.s32 v3, $0x0  }
0x26: {  	v3 =	vsel vm0, v4, v5  }
0x27: {  	v4 =	vand.u32 $0xFFFE, v3  }
0x28: {  	(xrf1) =	vunique.msk.u32 $0xffff, v4;
	_ =	sdelay $0xd  }
0x29: {  	_, v5, vm0 =	vpop (xrf1);
	_ =	sdelay $0x3  }
0x2a: {  	v3 =	vand.u32 $0xFFFFFFFE, v3  }
0x2b: {  	[tilespmem:s28+$0x12800] =	vst v3  }
0x2c: {  	[tilespmem:v4+s2+$0x0] =	vst.idx.add.s32.msk vm0, v5  }
0x2d: {  	v3 =	vld [tilespmem:s28+$0x12010];
	_ =	sdelay $0x4  }
0x2e: {  	v58 =	vxor.u32 $0xFFFFFFFF, v3;
	v59 =	vor.u32 $0x80000000, v3;
	vm13 =	vlt.s32 v3, $0x0  }
0x2f: {  	v3 =	vsel vm13, v58, v59  }
0x30: {  	v4 =	vand.u32 $0xFFFE, v3  }
0x31: {  	(xrf1) =	vunique.msk.u32 $0xffff, v4;
	_ =	sdelay $0xd  }
0x32: {  	_, v5, vm0 =	vpop (xrf1);
	_ =	sdelay $0x3  }
0x33: {  	v3 =	vand.u32 $0xFFFFFFFE, v3  }
0x34: {  	[tilespmem:s28+$0x12810] =	vst v3  }
0x35: {  	[tilespmem:v4+s2+$0x0] =	vst.idx.add.s32.msk vm0, v5  }
0x36: {  	v3 =	vld [tilespmem:s28+$0x12020];
	_ =	sdelay $0x4  }
0x37: {  	v60 =	vxor.u32 $0xFFFFFFFF, v3;
	v61 =	vor.u32 $0x80000000, v3;
	vm14 =	vlt.s32 v3, $0x0  }
0x38: {  	v3 =	vsel vm14, v60, v61  }
0x39: {  	v4 =	vand.u32 $0xFFFE, v3  }
0x3a: {  	(xrf1) =	vunique.msk.u32 $0xffff, v4;
	_ =	sdelay $0xd  }
0x3b: {  	_, v5, vm0 =	vpop (xrf1);
	_ =	sdelay $0x3  }
0x3c: {  	v3 =	vand.u32 $0xFFFFFFFE, v3  }
0x3d: {  	[tilespmem:s28+$0x12820] =	vst v3  }
0x3e: {  	[tilespmem:v4+s2+$0x0] =	vst.idx.add.s32.msk vm0, v5  }
0x3f: {  	v3 =	vld [tilespmem:s28+$0x12030];
	_ =	sdelay $0x4  }
0x40: {  	v62 =	vxor.u32 $0xFFFFFFFF, v3;
	v63 =	vor.u32 $0x80000000, v3;
	vm15 =	vlt.s32 v3, $0x0  }
0x41: {  	v3 =	vsel vm15, v62, v63  }
0x42: {  	v4 =	vand.u32 $0xFFFE, v3  }
0x43: {  	(xrf1) =	vunique.msk.u32 $0xffff, v4;
	_ =	sdelay $0xd  }
0x44: {  	_, v5, vm0 =	vpop (xrf1)  }
0x45: {  	p2 =	sne.s32 s26, $0x1F00  }
.Ltmp2:
0x46: {  	_ = 	snop;
	(pc) =	sbr.rel @p2 .LBB2_6-.Ltmp2, $4  }
0x47: {  	_ = 	snop  }
0x48: {  	v3 =	vand.u32 $0xFFFFFFFE, v3  }
0x49: {  	[tilespmem:s28+$0x12830] =	vst v3  }
0x4a: {  	s26 =	sadd.s32 $0x100, s26;
	[tilespmem:v4+s2+$0x0] =	vst.idx.add.s32.msk vm0, v5  }
0x4b: {  	s25 =	sor.u32 s6, s25;
	s24 =	sadd.s32 $0x1, s24  }
0x4c: {  	s25 =	sshrl.u32 s25, $0x3;
	p2 =	sne.s32 s24, $0x40  }
.Ltmp3:
0x4d: {  	s25 =	sadd.s32 s7, s25;
	(pc) =	sbr.rel @p2 .LBB2_5-.Ltmp3, $4  }
0x4e: {  	[hbm4b:s25+s2] =	stream.linear.scatter [tilespmem:s16], [sflag:$0x2], $0x800, $0x38;
	[tilespmem:$0x15800] =	vst v63  }
0x4f: {  	_ =	swait.ge [sflag:s15], $0x800  }
0x50: {  	[sflag:s15] =	ssyncset.done $0x0  }
0x51: {  	[sflag:s15] =	ssyncadd.s32 $0xFFFFF800  }
.Ltmp4:
0x52: {  	(pc) =	sbr.rel @p1 .LBB2_13-.Ltmp4, $1  }
0x53: {  	_ =	sdelay $0x3  }
.LBB2_9:
0x54: {  	s23 =	simm.s32 $0x0;
	s24 =	simm.s32 $0x0  }
.LBB2_10:
0x55: {  	s25 =	sshll.u32 s24, $0xB  }
0x56: {  	s26 =	sadd.s32 s9, s25  }
0x57: {  	s26 =	sshrl.u32 s26, $0x3  }
0x58: {  	s26 =	sadd.s32 s4, s26  }
0x59: {  	[tilespmem:s14], [sflag:$0x2] =	stream.linear.gather [hbm4b:s26+s23], $0x800, $0x38;
	[tilespmem:$0x15800] =	vst v63  }
0x5a: {  	_ =	swait.ge [sflag:s15], $0x800  }
0x5b: {  	[sflag:s15] =	ssyncset.done $0x0  }
0x5c: {  	s26 =	simm.s32 $0x0;
	[sflag:s15] =	ssyncadd.s32 $0xFFFFF800  }
.LBB2_11:
0x5d: {  	s28 =	sshra.s32 s26, $0x2  }
0x5e: {  	v3 =	vld [tilespmem:s28+$0x12000];
	_ =	sdelay $0x4  }
0x5f: {  	v4 =	vxor.u32 $0xFFFFFFFF, v3;
	v5 =	vor.u32 $0x80000000, v3;
	vm0 =	vlt.s32 v3, $0x0  }
0x60: {  	v3 =	vsel vm0, v4, v5  }
0x61: {  	v4 =	vand.u32 $0xFFFFFFFE, v3  }
0x62: {  	v4 =	vor.u32 v0, v4  }
0x63: {  	v51 =	vand.u32 $0xFFFF, v4  }
0x64: {  	(xrf1) =	vunique.msk.u32 $0xffff, v51;
	_ =	sdelay $0xd  }
0x65: {  	v3 =	vand.u32 $0xFF80, v3;
	v6 =	vand.u32 $0x7F, v4;
	_, v5, vm9 =	vpop (xrf1)  }
0x66: {  	v3 =	vor.u32 v3, v6;
	_ =	sdelay $0x3  }
0x67: {  	[tilespmem:s28+$0x12800] =	vst v4  }
0x68: {  	[tilespmem:v3+s2+$0x0] =	vst.idx.add.s32.msk vm9, v5  }
0x69: {  	v3 =	vld [tilespmem:s28+$0x12010];
	_ =	sdelay $0x4  }
0x6a: {  	v52 =	vxor.u32 $0xFFFFFFFF, v3;
	v53 =	vor.u32 $0x80000000, v3;
	vm10 =	vlt.s32 v3, $0x0  }
0x6b: {  	v3 =	vsel vm10, v52, v53  }
0x6c: {  	v4 =	vand.u32 $0xFFFFFFFE, v3  }
0x6d: {  	v4 =	vor.u32 v0, v4  }
0x6e: {  	v54 =	vand.u32 $0xFFFF, v4  }
0x6f: {  	(xrf1) =	vunique.msk.u32 $0xffff, v54;
	_ =	sdelay $0xd  }
0x70: {  	v3 =	vand.u32 $0xFF80, v3;
	v55 =	vand.u32 $0x7F, v4;
	_, v5, vm11 =	vpop (xrf1)  }
0x71: {  	v3 =	vor.u32 v3, v55;
	_ =	sdelay $0x3  }
0x72: {  	[tilespmem:s28+$0x12810] =	vst v4  }
0x73: {  	[tilespmem:v3+s2+$0x0] =	vst.idx.add.s32.msk vm11, v5  }
0x74: {  	v3 =	vld [tilespmem:s28+$0x12020];
	_ =	sdelay $0x4  }
0x75: {  	v56 =	vxor.u32 $0xFFFFFFFF, v3;
	v57 =	vor.u32 $0x80000000, v3;
	vm12 =	vlt.s32 v3, $0x0  }
0x76: {  	v3 =	vsel vm12, v56, v57  }
0x77: {  	v4 =	vand.u32 $0xFFFFFFFE, v3  }
0x78: {  	v4 =	vor.u32 v0, v4  }
0x79: {  	v58 =	vand.u32 $0xFFFF, v4  }
0x7a: {  	(xrf1) =	vunique.msk.u32 $0xffff, v58;
	_ =	sdelay $0xd  }
0x7b: {  	v3 =	vand.u32 $0xFF80, v3;
	v59 =	vand.u32 $0x7F, v4;
	_, v5, vm13 =	vpop (xrf1)  }
0x7c: {  	v3 =	vor.u32 v3, v59;
	_ =	sdelay $0x3  }
0x7d: {  	[tilespmem:s28+$0x12820] =	vst v4  }
0x7e: {  	[tilespmem:v3+s2+$0x0] =	vst.idx.add.s32.msk vm13, v5  }
0x7f: {  	v3 =	vld [tilespmem:s28+$0x12030];
	_ =	sdelay $0x4  }
0x80: {  	v60 =	vxor.u32 $0xFFFFFFFF, v3;
	v61 =	vor.u32 $0x80000000, v3;
	vm14 =	vlt.s32 v3, $0x0  }
0x81: {  	v3 =	vsel vm14, v60, v61  }
0x82: {  	v4 =	vand.u32 $0xFFFFFFFE, v3  }
0x83: {  	v4 =	vor.u32 v0, v4  }
0x84: {  	v62 =	vand.u32 $0xFFFF, v4  }
0x85: {  	(xrf1) =	vunique.msk.u32 $0xffff, v62;
	_ =	sdelay $0xd  }
0x86: {  	v3 =	vand.u32 $0xFF80, v3;
	v63 =	vand.u32 $0x7F, v4;
	_, v5, vm15 =	vpop (xrf1)  }
0x87: {  	p2 =	sne.s32 s26, $0x1F00;
	v3 =	vor.u32 v3, v63  }
.Ltmp5:
0x88: {  	_ = 	snop;
	(pc) =	sbr.rel @p2 .LBB2_11-.Ltmp5, $3  }
0x89: {  	_ =	sdelay $0x1  }
0x8a: {  	[tilespmem:s28+$0x12830] =	vst v4  }
0x8b: {  	s26 =	sadd.s32 $0x100, s26;
	[tilespmem:v3+s2+$0x0] =	vst.idx.add.s32.msk vm15, v5  }
0x8c: {  	s25 =	sor.u32 s8, s25;
	s24 =	sadd.s32 $0x1, s24  }
0x8d: {  	s25 =	sshrl.u32 s25, $0x3;
	p2 =	sne.s32 s24, $0x40  }
.Ltmp6:
0x8e: {  	s25 =	sadd.s32 s7, s25;
	(pc) =	sbr.rel @p2 .LBB2_10-.Ltmp6, $4  }
0x8f: {  	[hbm4b:s25+s2] =	stream.linear.scatter [tilespmem:s16], [sflag:$0x2], $0x800, $0x38;
	[tilespmem:$0x15800] =	vst v63  }
0x90: {  	_ =	swait.ge [sflag:s15], $0x800  }
0x91: {  	[sflag:s15] =	ssyncset.done $0x0  }
0x92: {  	[sflag:s15] =	ssyncadd.s32 $0xFFFFF800  }
.LBB2_13:
0x93: {  	s23 =	simm.s32 $0x0;
	s25 =	smov.u32 s6;
	s24 =	simm.s32 $0x0  }
.LBB2_14:
0x94: {  	s26 =	sshll.u32 s24, $0xD  }
0x95: {  	s26 =	sand.u32 $0x3FFFE000, s26  }
0x96: {  	[spmem:s10] =	stream.strided.scatter [tilespmem:s26], [sflag:$0x2], $0x2000, s18, s17, $0x38;
	[tilespmem:$0x15800] =	vst v63  }
0x97: {  	_ =	swait.ge [sflag:s15], $0x2000  }
0x98: {  	[sflag:s15] =	ssyncset.done $0x0  }
0x99: {  	[sflag:s15] =	ssyncadd.s32 $0xFFFFE000  }
0x9a: {  	s28 =	simm.s32 $0x10000;
	[bflag:$0x0] =	sbarrier.arrive $0xFFFF  }
0x9b: {  	[tilespmem:s28], [sflag:$0x2] =	stream.strided.gather [spmem:s11], $0x2000, s18, s17, $0x38;
	[tilespmem:$0x15800] =	vst v63  }
0x9c: {  	_ =	swait.ge [sflag:s15], $0x2000  }
0x9d: {  	s29 =	sand.u32 $0x1F80, s23;
	[sflag:s15] =	ssyncset.done $0x0  }
0x9e: {  	s30 =	sand.u32 $0x70, s23;
	s29 =	sadd.s32 s29, s26;
	[sflag:s15] =	ssyncadd.s32 $0xFFFFE000  }
0x9f: {  	s0 =	sadd.s32 s30, s29;
	v3 =	vld [tilespmem:s28+$0x0]  }
0xa0: {  	v4 =	vld [tilespmem:s0+$0x0];
	_ =	sdelay $0x4  }
0xa1: {  	v4 =	vadd.s32 v4, v3  }
0xa2: {  	(xrf0) =	vadd.scan.msk.s32 $0xffff, v4;
	_ =	sdelay $0x4  }
0xa3: {  	v3 =	vmul.u32 v0, v3  }
0xa4: {  	v4 =	vsub.s32 s25, v4;
	v5, _, _ =	vpop (xrf0)  }
0xa5: {  	v3 =	vadd.s32 v3, v4;
	(v2sf) =	vpush v5, $0xF  }
0xa6: {  	s29 =	simm.s32 $0x10;
	v3 =	vadd.s32 v5, v3  }
0xa7: {  	s30 =	simm.s32 $0x20;
	s31 =	sand.u32 $0x1F80, s29;
	s28 =	simm.s32 $0x10010;
	[tilespmem:s0+$0x0] =	vst v3  }
.LBB2_15:
0xa8: {  	p2 =	sne.s32 s30, $0x1FF0;
	s0 =	sand.u32 $0x70, s29;
	s29 =	sadd.s32 s31, s26  }
0xa9: {  	s0 =	sadd.s32 s0, s29;
	v3 =	vld [tilespmem:s28+$0x0];
	s29 =	smov.u32 s30  }
0xaa: {  	v4 =	vld [tilespmem:s0+$0x0];
	_ =	sdelay $0x3  }
0xab: {  	v5 =	vmul.u32 v0, v3  }
0xac: {  	v3 =	vadd.s32 v4, v3  }
0xad: {  	(xrf0) =	vadd.scan.msk.s32 $0xffff, v3;
	_ =	sdelay $0x3  }
0xae: {  	s31 =	spop (v2sf)  }
.Ltmp7:
0xaf: {  	s25 =	sadd.s32 s25, s31;
	(pc) =	sbr.rel @p2 .LBB2_15-.Ltmp7, $4  }
0xb0: {  	v3 =	vsub.s32 s25, v3;
	v4, _, _ =	vpop (xrf0)  }
0xb1: {  	v3 =	vadd.s32 v5, v3;
	(v2sf) =	vpush v4, $0xF  }
0xb2: {  	v3 =	vadd.s32 v4, v3  }
0xb3: {  	s30 =	sadd.s32 $0x10, s30;
	s28 =	sadd.s32 $0x10, s28;
	s31 =	sand.u32 $0x1F80, s29;
	[tilespmem:s0+$0x0] =	vst v3  }
0xb4: {  	s0 =	sand.u32 $0x70, s29;
	s26 =	sadd.s32 s31, s26  }
0xb5: {  	v3 =	vld [tilespmem:s28+$0x0];
	s0 =	sadd.s32 s0, s26  }
0xb6: {  	v4 =	vld [tilespmem:s0+$0x0];
	_ =	sdelay $0x4  }
0xb7: {  	v4 =	vadd.s32 v4, v3  }
0xb8: {  	(xrf0) =	vadd.scan.msk.s32 $0xffff, v4;
	_ =	sdelay $0x5  }
0xb9: {  	v5, _, _ =	vpop (xrf0)  }
0xba: {  	(v2sf) =	vpush v5, $0xF;
	_ =	sdelay $0x9  }
0xbb: {  	s30 =	spop (v2sf)  }
0xbc: {  	s24 =	sadd.s32 $0x1, s24;
	v3 =	vmul.u32 v0, v3;
	s25 =	sadd.s32 s25, s30  }
0xbd: {  	p2 =	sne.s32 s24, $0x8;
	v4 =	vsub.s32 s25, v4  }
.Ltmp8:
0xbe: {  	v3 =	vadd.s32 v3, v4;
	(pc) =	sbr.rel @p2 .LBB2_14-.Ltmp8, $4  }
0xbf: {  	v3 =	vadd.s32 v5, v3  }
0xc0: {  	[tilespmem:s0+$0x0] =	vst v3;
	s31 =	spop (v2sf)  }
0xc1: {  	[bflag:$0x0] =	sbarrier.arrive $0xFFFF  }
0xc2: {  	s26 =	simm.s32 $0x0;
	s25 =	sadd.s32 s25, s31  }
0xc3: {  	s23 =	simm.s32 $0x0  }
.LBB2_18:
0xc4: {  	s0 =	sshll.u32 s23, $0xB  }
0xc5: {  	s0 =	sadd.s32 s8, s0  }
0xc6: {  	s0 =	sshrl.u32 s0, $0x3  }
0xc7: {  	s0 =	sadd.s32 s7, s0  }
0xc8: {  	[tilespmem:s16], [sflag:$0x2] =	stream.linear.gather [hbm4b:s0+s26], $0x800, $0x38;
	[tilespmem:$0x15800] =	vst v63  }
0xc9: {  	_ =	swait.ge [sflag:s15], $0x800  }
0xca: {  	[sflag:s15] =	ssyncset.done $0x0  }
0xcb: {  	s24 =	simm.s32 $0x0;
	[sflag:s15] =	ssyncadd.s32 $0xFFFFF800  }
.LBB2_19:
0xcc: {  	s0 =	sshra.s32 s24, $0x2  }
0xcd: {  	v3 =	vld [tilespmem:s0+$0x12800];
	_ =	sdelay $0x4  }
0xce: {  	v3 =	vand.u32 $0xFFFF, v3  }
0xcf: {  	(xrf1) =	vunique.msk.u32 $0xffff, v3;
	_ =	sdelay $0xb  }
0xd0: {  	v4 =	vld.idx.msk [tilespmem:v3+s2+$0x0], $0xffff;
	_ =	sdelay $0x1  }
0xd1: {  	_, v5, vm0 =	vpop (xrf1);
	_ =	sdelay $0x2  }
0xd2: {  	v4 =	vadd.s32 v5, v4  }
0xd3: {  	v4 =	vadd.s32 $0xFFFFFFFF, v4  }
0xd4: {  	[tilespmem:s0+$0x13000] =	vst v4  }
0xd5: {  	[tilespmem:v3+s2+$0x0] =	vst.idx.add.s32.msk vm0, v5  }
0xd6: {  	v3 =	vld [tilespmem:s0+$0x12810];
	_ =	sdelay $0x4  }
0xd7: {  	v3 =	vand.u32 $0xFFFF, v3  }
0xd8: {  	(xrf1) =	vunique.msk.u32 $0xffff, v3;
	_ =	sdelay $0xb  }
0xd9: {  	v4 =	vld.idx.msk [tilespmem:v3+s2+$0x0], $0xffff;
	_ =	sdelay $0x1  }
0xda: {  	_, v5, vm0 =	vpop (xrf1);
	_ =	sdelay $0x2  }
0xdb: {  	v4 =	vadd.s32 v5, v4  }
0xdc: {  	v4 =	vadd.s32 $0xFFFFFFFF, v4  }
0xdd: {  	[tilespmem:s0+$0x13010] =	vst v4  }
0xde: {  	[tilespmem:v3+s2+$0x0] =	vst.idx.add.s32.msk vm0, v5  }
0xdf: {  	v3 =	vld [tilespmem:s0+$0x12820];
	_ =	sdelay $0x4  }
0xe0: {  	v3 =	vand.u32 $0xFFFF, v3  }
0xe1: {  	(xrf1) =	vunique.msk.u32 $0xffff, v3;
	_ =	sdelay $0xb  }
0xe2: {  	v4 =	vld.idx.msk [tilespmem:v3+s2+$0x0], $0xffff;
	_ =	sdelay $0x1  }
0xe3: {  	_, v5, vm0 =	vpop (xrf1);
	_ =	sdelay $0x2  }
0xe4: {  	v4 =	vadd.s32 v5, v4  }
0xe5: {  	v4 =	vadd.s32 $0xFFFFFFFF, v4  }
0xe6: {  	[tilespmem:s0+$0x13020] =	vst v4  }
0xe7: {  	[tilespmem:v3+s2+$0x0] =	vst.idx.add.s32.msk vm0, v5  }
0xe8: {  	v3 =	vld [tilespmem:s0+$0x12830];
	_ =	sdelay $0x4  }
0xe9: {  	v3 =	vand.u32 $0xFFFF, v3  }
0xea: {  	(xrf1) =	vunique.msk.u32 $0xffff, v3;
	_ =	sdelay $0xb  }
0xeb: {  	v4 =	vld.idx.msk [tilespmem:v3+s2+$0x0], $0xffff;
	_ =	sdelay $0x1  }
0xec: {  	_, v5, vm0 =	vpop (xrf1)  }
0xed: {  	p2 =	sne.s32 s24, $0x1F00  }
.Ltmp9:
0xee: {  	_ = 	snop;
	(pc) =	sbr.rel @p2 .LBB2_19-.Ltmp9, $4  }
0xef: {  	v4 =	vadd.s32 v5, v4  }
0xf0: {  	v4 =	vadd.s32 $0xFFFFFFFF, v4  }
0xf1: {  	[tilespmem:s0+$0x13030] =	vst v4  }
0xf2: {  	s24 =	sadd.s32 $0x100, s24;
	[tilespmem:v3+s2+$0x0] =	vst.idx.add.s32.msk vm0, v5  }
0xf3: {  	s23 =	sadd.s32 $0x1, s23  }
0xf4: {  	p2 =	sne.s32 s23, $0x40  }
.Ltmp10:
0xf5: {  	_ = 	snop;
	(pc) =	sbr.rel @p2 .LBB2_18-.Ltmp10, $4  }
0xf6: {  	[hbm4b:s5+s19] =	stream.indirect.scatter [tilespmem:s16], [sflag:$0x1], $0x1, s20, s19, $0xb8;
	[tilespmem:$0x15800] =	vst v63  }
0xf7: {  	_ =	swait.ge [sflag:s21], $0x800  }
0xf8: {  	[sflag:s21] =	ssyncset.done $0x0  }
0xf9: {  	[sflag:s21] =	ssyncadd.s32 $0xFFFFF800  }
0xfa: {  	[bflag:$0x0] =	sbarrier.arrive $0xFFFF  }
0xfb: {  	s24 =	simm.s32 $0x0;
	s23 =	simm.s32 $0xFFFFFFFF;
	s25 =	smul.u32 $0x19660D, s1  }
.LBB2_22:
0xfc: {  	s23 =	sadd.s32 $0xFFFFFFFF, s23  }
0xfd: {  	p2 =	sne.s32 s23, $0xFFFFE0C0  }
.Ltmp11:
0xfe: {  	s0 =	sadd.s32 s24, s25;
	s24 =	sadd.s32 $0x1, s24;
	(pc) =	sbr.rel @p2 .LBB2_22-.Ltmp11, $2  }
0xff: {  	_ =	sdelay $0x2  }
0x100: {  	s25 =	smul.u32 $0x19660D, s0  }
0x101: {  	s0 =	sxor.u32 $0xFFFFFFFF, s23  }
0x102: {  	s0 =	sadd.s32 s25, s0  }
0x103: {  	v3 =	vmov s0  }
0x104: {  	s23 =	simm.s32 $0x0;
	[tilespmem:$0x13000] =	vst v3  }
0x105: {  	s24 =	simm.s32 $0x40;
	s25 =	simm.s32 $0x0;
	[bflag:$0x0] =	sbarrier.arrive $0xFFFF  }
.LBB2_24:
0x106: {  	p2 =	sne.s32 s24, $0x3FFC0;
	[tilespmem:s25+$0x0] =	vst v1;
	s0 =	smov.u32 s24;
	s24 =	sadd.s32 $0x40, s24  }
.Ltmp12:
0x107: {  	(pc) =	sbr.rel @p2 .LBB2_24-.Ltmp12, $2  }
0x108: {  	_ =	sdelay $0x2  }
0x109: {  	s25 =	sshra.s32 s0, $0x2  }
0x10a: {  	[tilespmem:s25+$0x0] =	vst v1  }
.LBB2_26:
0x10b: {  	s0 =	sshll.u32 s23, $0xB  }
0x10c: {  	s0 =	sadd.s32 s8, s0  }
0x10d: {  	s0 =	sshrl.u32 s0, $0x3  }
0x10e: {  	s24 =	simm.s32 $0x0;
	s0 =	sadd.s32 s5, s0  }
0x10f: {  	[tilespmem:s16], [sflag:$0x2] =	stream.linear.gather [hbm4b:s0+s24], $0x800, $0x38;
	[tilespmem:$0x15800] =	vst v63  }
0x110: {  	_ =	swait.ge [sflag:s15], $0x800  }
0x111: {  	[sflag:s15] =	ssyncset.done $0x0  }
0x112: {  	s31 =	simm.s32 $0x0;
	[sflag:s15] =	ssyncadd.s32 $0xFFFFF800  }
0x113: {  	v3 =	vld [tilespmem:s31+$0x12800];
	_ =	sdelay $0x4  }
0x114: {  	v4 =	vshrl.u32 v3, $0x10  }
0x115: {  	v3 =	vand.u32 $0x1, v3;
	v5 =	vshll.u32 v4, $0x1  }
0x116: {  	(xrf1) =	vunique.msk.u32 $0xffff, v4;
	v5 =	vor.u32 v3, v5  }
0x117: {  	(xrf1) =	vunique.msk.u32 $0xffff, v5;
	_ =	sdelay $0xc  }
0x118: {  	_, v5, vm0 =	vpop (xrf1)  }
0x119: {  	_, v6, _ =	vpop (xrf1)  }
0x11a: {  	v3 =	vshll.u32 v3, $0x1;
	v6 =	vshll.u32 v6, $0x1  }
0x11b: {  	v3 =	vsub.s32 $0x1, v3;
	v5 =	vsub.s32 v6, v5  }
0x11c: {  	v3 =	vmul.u32 v3, v5;
	_ =	sdelay $0x1  }
0x11d: {  	[tilespmem:v4+s2+$0x0] =	vst.idx.add.s32.msk vm0, v3  }
0x11e: {  	v3 =	vld [tilespmem:s31+$0x12810];
	_ =	sdelay $0x4  }
0x11f: {  	v4 =	vshrl.u32 v3, $0x10  }
0x120: {  	v3 =	vand.u32 $0x1, v3;
	v5 =	vshll.u32 v4, $0x1  }
0x121: {  	(xrf1) =	vunique.msk.u32 $0xffff, v4;
	v5 =	vor.u32 v3, v5  }
0x122: {  	(xrf1) =	vunique.msk.u32 $0xffff, v5;
	_ =	sdelay $0xc  }
0x123: {  	_, v5, vm0 =	vpop (xrf1)  }
0x124: {  	_, v6, _ =	vpop (xrf1)  }
0x125: {  	v3 =	vshll.u32 v3, $0x1;
	v6 =	vshll.u32 v6, $0x1  }
0x126: {  	v3 =	vsub.s32 $0x1, v3;
	v5 =	vsub.s32 v6, v5  }
0x127: {  	v3 =	vmul.u32 v3, v5;
	_ =	sdelay $0x1  }
0x128: {  	[tilespmem:v4+s2+$0x0] =	vst.idx.add.s32.msk vm0, v3  }
0x129: {  	v3 =	vld [tilespmem:s31+$0x12820];
	_ =	sdelay $0x4  }
0x12a: {  	v4 =	vshrl.u32 v3, $0x10  }
0x12b: {  	v3 =	vand.u32 $0x1, v3;
	v5 =	vshll.u32 v4, $0x1  }
0x12c: {  	(xrf1) =	vunique.msk.u32 $0xffff, v4;
	v5 =	vor.u32 v3, v5  }
0x12d: {  	(xrf1) =	vunique.msk.u32 $0xffff, v5;
	_ =	sdelay $0xc  }
0x12e: {  	_, v5, vm0 =	vpop (xrf1)  }
0x12f: {  	_, v6, _ =	vpop (xrf1)  }
0x130: {  	v3 =	vshll.u32 v3, $0x1;
	v6 =	vshll.u32 v6, $0x1  }
0x131: {  	v3 =	vsub.s32 $0x1, v3;
	v5 =	vsub.s32 v6, v5  }
0x132: {  	v3 =	vmul.u32 v3, v5;
	_ =	sdelay $0x1  }
0x133: {  	[tilespmem:v4+s2+$0x0] =	vst.idx.add.s32.msk vm0, v3  }
0x134: {  	v4 =	vld [tilespmem:s31+$0x12830];
	_ =	sdelay $0x4  }
0x135: {  	v3 =	vshrl.u32 v4, $0x10  }
0x136: {  	v4 =	vand.u32 $0x1, v4;
	v5 =	vshll.u32 v3, $0x1  }
0x137: {  	(xrf1) =	vunique.msk.u32 $0xffff, v3;
	v5 =	vor.u32 v4, v5  }
0x138: {  	(xrf1) =	vunique.msk.u32 $0xffff, v5;
	_ =	sdelay $0xc  }
0x139: {  	_, v5, vm0 =	vpop (xrf1)  }
0x13a: {  	_, v6, _ =	vpop (xrf1)  }
0x13b: {  	v4 =	vshll.u32 v4, $0x1;
	v6 =	vshll.u32 v6, $0x1  }
0x13c: {  	v4 =	vsub.s32 $0x1, v4;
	v5 =	vsub.s32 v6, v5  }
0x13d: {  	s25 =	simm.s32 $0x200;
	s24 =	simm.s32 $0x100;
	v4 =	vmul.u32 v4, v5  }
.LBB2_27:
0x13e: {  	p2 =	sne.s32 s25, $0x1F00  }
0x13f: {  	s26 =	sshra.s32 s24, $0x2;
	s24 =	smov.u32 s25;
	s25 =	sadd.s32 $0x100, s25;
	[tilespmem:v3+s2+$0x0] =	vst.idx.add.s32.msk vm0, v4  }
0x140: {  	v3 =	vld [tilespmem:s26+$0x12800];
	_ =	sdelay $0x4  }
0x141: {  	v4 =	vshrl.u32 v3, $0x10  }
0x142: {  	v3 =	vand.u32 $0x1, v3;
	v5 =	vshll.u32 v4, $0x1  }
0x143: {  	v5 =	vor.u32 v3, v5;
	v3 =	vshll.u32 v3, $0x1;
	(xrf1) =	vunique.msk.u32 $0xffff, v4  }
0x144: {  	(xrf1) =	vunique.msk.u32 $0xffff, v5;
	_ =	sdelay $0xc  }
0x145: {  	_, v5, vm0 =	vpop (xrf1)  }
0x146: {  	_, v6, _ =	vpop (xrf1)  }
0x147: {  	v6 =	vshll.u32 v6, $0x1  }
0x148: {  	v3 =	vsub.s32 $0x1, v3;
	v5 =	vsub.s32 v6, v5  }
0x149: {  	v3 =	vmul.u32 v3, v5;
	_ =	sdelay $0x1  }
0x14a: {  	[tilespmem:v4+s2+$0x0] =	vst.idx.add.s32.msk vm0, v3  }
0x14b: {  	v3 =	vld [tilespmem:s26+$0x12810];
	_ =	sdelay $0x4  }
0x14c: {  	v4 =	vshrl.u32 v3, $0x10  }
0x14d: {  	v3 =	vand.u32 $0x1, v3;
	v5 =	vshll.u32 v4, $0x1  }
0x14e: {  	v5 =	vor.u32 v3, v5;
	v3 =	vshll.u32 v3, $0x1;
	(xrf1) =	vunique.msk.u32 $0xffff, v4  }
0x14f: {  	(xrf1) =	vunique.msk.u32 $0xffff, v5;
	_ =	sdelay $0xc  }
0x150: {  	_, v5, vm0 =	vpop (xrf1)  }
0x151: {  	_, v6, _ =	vpop (xrf1)  }
0x152: {  	v6 =	vshll.u32 v6, $0x1  }
0x153: {  	v3 =	vsub.s32 $0x1, v3;
	v5 =	vsub.s32 v6, v5  }
0x154: {  	v3 =	vmul.u32 v3, v5;
	_ =	sdelay $0x1  }
0x155: {  	[tilespmem:v4+s2+$0x0] =	vst.idx.add.s32.msk vm0, v3  }
0x156: {  	v3 =	vld [tilespmem:s26+$0x12820];
	_ =	sdelay $0x4  }
0x157: {  	v4 =	vshrl.u32 v3, $0x10  }
0x158: {  	v3 =	vand.u32 $0x1, v3;
	v5 =	vshll.u32 v4, $0x1  }
0x159: {  	v5 =	vor.u32 v3, v5;
	v3 =	vshll.u32 v3, $0x1;
	(xrf1) =	vunique.msk.u32 $0xffff, v4  }
0x15a: {  	(xrf1) =	vunique.msk.u32 $0xffff, v5;
	_ =	sdelay $0xc  }
0x15b: {  	_, v5, vm0 =	vpop (xrf1)  }
0x15c: {  	_, v6, _ =	vpop (xrf1)  }
0x15d: {  	v6 =	vshll.u32 v6, $0x1  }
0x15e: {  	v3 =	vsub.s32 $0x1, v3;
	v5 =	vsub.s32 v6, v5  }
0x15f: {  	v3 =	vmul.u32 v3, v5;
	_ =	sdelay $0x1  }
0x160: {  	[tilespmem:v4+s2+$0x0] =	vst.idx.add.s32.msk vm0, v3  }
0x161: {  	v4 =	vld [tilespmem:s26+$0x12830];
	_ =	sdelay $0x4  }
0x162: {  	v3 =	vshrl.u32 v4, $0x10  }
0x163: {  	v4 =	vand.u32 $0x1, v4;
	v5 =	vshll.u32 v3, $0x1  }
0x164: {  	v5 =	vor.u32 v4, v5;
	v4 =	vshll.u32 v4, $0x1;
	(xrf1) =	vunique.msk.u32 $0xffff, v3  }
0x165: {  	(xrf1) =	vunique.msk.u32 $0xffff, v5;
	_ =	sdelay $0xc  }
.Ltmp13:
0x166: {  	_, v5, vm0 =	vpop (xrf1);
	(pc) =	sbr.rel @p2 .LBB2_27-.Ltmp13, $4  }
0x167: {  	_, v6, _ =	vpop (xrf1)  }
0x168: {  	v6 =	vshll.u32 v6, $0x1  }
0x169: {  	v4 =	vsub.s32 $0x1, v4;
	v5 =	vsub.s32 v6, v5  }
0x16a: {  	v4 =	vmul.u32 v4, v5  }
0x16b: {  	_ =	sdelay $0x4  }
0x16c: {  	s0 =	sshra.s32 s24, $0x2;
	[tilespmem:v3+s2+$0x0] =	vst.idx.add.s32.msk vm0, v4  }
0x16d: {  	v3 =	vld [tilespmem:s0+$0x12800];
	_ =	sdelay $0x4  }
0x16e: {  	v50 =	vshrl.u32 v3, $0x10  }
0x16f: {  	v3 =	vand.u32 $0x1, v3;
	v5 =	vshll.u32 v50, $0x1  }
0x170: {  	(xrf1) =	vunique.msk.u32 $0xffff, v50;
	v5 =	vor.u32 v3, v5  }
0x171: {  	(xrf1) =	vunique.msk.u32 $0xffff, v5;
	_ =	sdelay $0xc  }
0x172: {  	_, v51, vm12 =	vpop (xrf1)  }
0x173: {  	_, v6, _ =	vpop (xrf1)  }
0x174: {  	v3 =	vshll.u32 v3, $0x1;
	v6 =	vshll.u32 v6, $0x1  }
0x175: {  	v3 =	vsub.s32 $0x1, v3;
	v5 =	vsub.s32 v6, v51  }
0x176: {  	v3 =	vmul.u32 v3, v5;
	_ =	sdelay $0x1  }
0x177: {  	[tilespmem:v50+s2+$0x0] =	vst.idx.add.s32.msk vm12, v3  }
0x178: {  	v3 =	vld [tilespmem:s0+$0x12810];
	_ =	sdelay $0x4  }
0x179: {  	v52 =	vshrl.u32 v3, $0x10  }
0x17a: {  	v3 =	vand.u32 $0x1, v3;
	v53 =	vshll.u32 v52, $0x1  }
0x17b: {  	(xrf1) =	vunique.msk.u32 $0xffff, v52;
	v5 =	vor.u32 v3, v53  }
0x17c: {  	(xrf1) =	vunique.msk.u32 $0xffff, v5;
	_ =	sdelay $0xc  }
0x17d: {  	_, v54, vm13 =	vpop (xrf1)  }
0x17e: {  	_, v55, _ =	vpop (xrf1)  }
0x17f: {  	v3 =	vshll.u32 v3, $0x1;
	v6 =	vshll.u32 v55, $0x1  }
0x180: {  	v3 =	vsub.s32 $0x1, v3;
	v5 =	vsub.s32 v6, v54  }
0x181: {  	v3 =	vmul.u32 v3, v5;
	_ =	sdelay $0x1  }
0x182: {  	[tilespmem:v52+s2+$0x0] =	vst.idx.add.s32.msk vm13, v3  }
0x183: {  	v3 =	vld [tilespmem:s0+$0x12820];
	_ =	sdelay $0x4  }
0x184: {  	v56 =	vshrl.u32 v3, $0x10  }
0x185: {  	v3 =	vand.u32 $0x1, v3;
	v57 =	vshll.u32 v56, $0x1  }
0x186: {  	(xrf1) =	vunique.msk.u32 $0xffff, v56;
	v5 =	vor.u32 v3, v57  }
0x187: {  	(xrf1) =	vunique.msk.u32 $0xffff, v5;
	_ =	sdelay $0xc  }
0x188: {  	_, v58, vm14 =	vpop (xrf1)  }
0x189: {  	_, v59, _ =	vpop (xrf1)  }
0x18a: {  	v3 =	vshll.u32 v3, $0x1;
	v6 =	vshll.u32 v59, $0x1  }
0x18b: {  	v3 =	vsub.s32 $0x1, v3;
	v5 =	vsub.s32 v6, v58  }
0x18c: {  	v3 =	vmul.u32 v3, v5;
	_ =	sdelay $0x1  }
0x18d: {  	[tilespmem:v56+s2+$0x0] =	vst.idx.add.s32.msk vm14, v3  }
0x18e: {  	v3 =	vld [tilespmem:s0+$0x12830];
	_ =	sdelay $0x4  }
0x18f: {  	v60 =	vshrl.u32 v3, $0x10  }
0x190: {  	v3 =	vand.u32 $0x1, v3;
	v61 =	vshll.u32 v60, $0x1  }
0x191: {  	(xrf1) =	vunique.msk.u32 $0xffff, v60;
	v5 =	vor.u32 v3, v61  }
0x192: {  	(xrf1) =	vunique.msk.u32 $0xffff, v5;
	_ =	sdelay $0xc  }
0x193: {  	s23 =	sadd.s32 $0x1, s23;
	_, v62, vm15 =	vpop (xrf1)  }
0x194: {  	p2 =	sne.s32 s23, $0x40;
	_, v63, _ =	vpop (xrf1)  }
.Ltmp14:
0x195: {  	v3 =	vshll.u32 v3, $0x1;
	v6 =	vshll.u32 v63, $0x1;
	(pc) =	sbr.rel @p2 .LBB2_26-.Ltmp14, $3  }
0x196: {  	v3 =	vsub.s32 $0x1, v3;
	v5 =	vsub.s32 v6, v62  }
0x197: {  	v3 =	vmul.u32 v3, v5;
	_ =	sdelay $0x1  }
0x198: {  	s24 =	simm.s32 $0x0;
	[tilespmem:v60+s2+$0x0] =	vst.idx.add.s32.msk vm15, v3  }
0x199: {  	s25 =	simm.s32 $0x0;
	s23 =	simm.s32 $0x0  }
.LBB2_30:
0x19a: {  	s0 =	sshll.u32 s23, $0xD  }
0x19b: {  	s26 =	sand.u32 $0x3FFFE000, s0  }
0x19c: {  	[spmem:s10] =	stream.strided.scatter [tilespmem:s26], [sflag:$0x2], $0x2000, s18, s17, $0x38;
	[tilespmem:$0x15800] =	vst v63  }
0x19d: {  	_ =	swait.ge [sflag:s15], $0x2000  }
0x19e: {  	[sflag:s15] =	ssyncset.done $0x0  }
0x19f: {  	[sflag:s15] =	ssyncadd.s32 $0xFFFFE000  }
0x1a0: {  	s0 =	simm.s32 $0x10000;
	[bflag:$0x0] =	sbarrier.arrive $0xFFFF  }
0x1a1: {  	[tilespmem:s0], [sflag:$0x2] =	stream.strided.gather [spmem:s11], $0x2000, s18, s17, $0x38;
	[tilespmem:$0x15800] =	vst v63  }
0x1a2: {  	_ =	swait.ge [sflag:s15], $0x2000  }
0x1a3: {  	s28 =	sand.u32 $0x1F80, s24;
	[sflag:s15] =	ssyncset.done $0x0  }
0x1a4: {  	s29 =	sand.u32 $0x70, s24;
	s28 =	sadd.s32 s28, s26;
	[sflag:s15] =	ssyncadd.s32 $0xFFFFE000  }
0x1a5: {  	s28 =	sadd.s32 s29, s28;
	v3 =	vld [tilespmem:s0+$0x0]  }
0x1a6: {  	v4 =	vld [tilespmem:s28+$0x0];
	_ =	sdelay $0x4  }
0x1a7: {  	v4 =	vadd.s32 v4, v3  }
0x1a8: {  	(xrf0) =	vadd.scan.msk.s32 $0xffff, v4;
	_ =	sdelay $0x4  }
0x1a9: {  	v3 =	vmul.u32 v0, v3  }
0x1aa: {  	v4 =	vsub.s32 s25, v4;
	v5, _, _ =	vpop (xrf0)  }
0x1ab: {  	v3 =	vadd.s32 v3, v4;
	(v2sf) =	vpush v5, $0xF  }
0x1ac: {  	s29 =	simm.s32 $0x10;
	v3 =	vadd.s32 v5, v3  }
0x1ad: {  	s30 =	simm.s32 $0x20;
	s31 =	sand.u32 $0x1F80, s29;
	[tilespmem:s28+$0x0] =	vst v3;
	s28 =	simm.s32 $0x10010  }
.LBB2_31:
0x1ae: {  	p2 =	sne.s32 s30, $0x1FF0;
	s0 =	sand.u32 $0x70, s29;
	s29 =	sadd.s32 s31, s26  }
0x1af: {  	s0 =	sadd.s32 s0, s29;
	v3 =	vld [tilespmem:s28+$0x0];
	s29 =	smov.u32 s30  }
0x1b0: {  	v4 =	vld [tilespmem:s0+$0x0];
	_ =	sdelay $0x3  }
0x1b1: {  	v5 =	vmul.u32 v0, v3  }
0x1b2: {  	v3 =	vadd.s32 v4, v3  }
0x1b3: {  	(xrf0) =	vadd.scan.msk.s32 $0xffff, v3;
	_ =	sdelay $0x3  }
0x1b4: {  	s31 =	spop (v2sf)  }
.Ltmp15:
0x1b5: {  	s25 =	sadd.s32 s25, s31;
	(pc) =	sbr.rel @p2 .LBB2_31-.Ltmp15, $4  }
0x1b6: {  	v3 =	vsub.s32 s25, v3;
	v4, _, _ =	vpop (xrf0)  }
0x1b7: {  	v3 =	vadd.s32 v5, v3;
	(v2sf) =	vpush v4, $0xF  }
0x1b8: {  	v3 =	vadd.s32 v4, v3  }
0x1b9: {  	s30 =	sadd.s32 $0x10, s30;
	s28 =	sadd.s32 $0x10, s28;
	s31 =	sand.u32 $0x1F80, s29;
	[tilespmem:s0+$0x0] =	vst v3  }
0x1ba: {  	s0 =	sand.u32 $0x70, s29;
	s26 =	sadd.s32 s31, s26  }
0x1bb: {  	v3 =	vld [tilespmem:s28+$0x0];
	s0 =	sadd.s32 s0, s26  }
0x1bc: {  	v4 =	vld [tilespmem:s0+$0x0];
	_ =	sdelay $0x4  }
0x1bd: {  	v4 =	vadd.s32 v4, v3  }
0x1be: {  	(xrf0) =	vadd.scan.msk.s32 $0xffff, v4;
	_ =	sdelay $0x5  }
0x1bf: {  	v5, _, _ =	vpop (xrf0)  }
0x1c0: {  	(v2sf) =	vpush v5, $0xF;
	_ =	sdelay $0x9  }
0x1c1: {  	s30 =	spop (v2sf)  }
0x1c2: {  	s23 =	sadd.s32 $0x1, s23;
	v3 =	vmul.u32 v0, v3;
	s25 =	sadd.s32 s25, s30  }
0x1c3: {  	p2 =	sne.s32 s23, $0x8;
	v4 =	vsub.s32 s25, v4  }
.Ltmp16:
0x1c4: {  	v3 =	vadd.s32 v3, v4;
	(pc) =	sbr.rel @p2 .LBB2_30-.Ltmp16, $4  }
0x1c5: {  	v3 =	vadd.s32 v5, v3  }
0x1c6: {  	[tilespmem:s0+$0x0] =	vst v3;
	s31 =	spop (v2sf)  }
0x1c7: {  	[bflag:$0x0] =	sbarrier.arrive $0xFFFF  }
0x1c8: {  	s25 =	sadd.s32 s25, s31  }
0x1c9: {  	s23 =	simm.s32 $0x0;
	v3 =	vimm.f32 $0.0e+00;
	s24 =	simm.s32 $0x0  }
.LBB2_34:
0x1ca: {  	s0 =	sshll.u32 s24, $0xB  }
0x1cb: {  	s0 =	sadd.s32 s8, s0  }
0x1cc: {  	s0 =	sshrl.u32 s0, $0x3  }
0x1cd: {  	s0 =	sadd.s32 s5, s0  }
0x1ce: {  	[tilespmem:s16], [sflag:$0x2] =	stream.linear.gather [hbm4b:s0+s23], $0x800, $0x38;
	[tilespmem:$0x15800] =	vst v63  }
0x1cf: {  	_ =	swait.ge [sflag:s15], $0x800  }
0x1d0: {  	[sflag:s15] =	ssyncset.done $0x0  }
0x1d1: {  	s31 =	simm.s32 $0x0;
	[sflag:s15] =	ssyncadd.s32 $0xFFFFF800  }
0x1d2: {  	v4 =	vld [tilespmem:s31+$0x12800];
	_ =	sdelay $0x4  }
0x1d3: {  	v5 =	vshrl.u32 v4, $0x10  }
0x1d4: {  	v6 =	vand.u32 $0x1, v4;
	v7 =	vshll.u32 v5, $0x1  }
0x1d5: {  	(xrf1) =	vunique.msk.u32 $0xffff, v5;
	v7 =	vor.u32 v6, v7  }
0x1d6: {  	(xrf1) =	vunique.msk.u32 $0xffff, v7;
	_ =	sdelay $0xc  }
0x1d7: {  	_, v7, vm0 =	vpop (xrf1)  }
0x1d8: {  	_, v8, _ =	vpop (xrf1)  }
0x1d9: {  	v6 =	vshll.u32 v6, $0x1;
	v8 =	vshll.u32 v8, $0x1  }
0x1da: {  	v6 =	vsub.s32 $0x1, v6;
	v7 =	vsub.s32 v8, v7  }
0x1db: {  	v7 =	vmul.u32 v6, v7  }
0x1dc: {  	v8 =	vld.idx.msk [tilespmem:v5+s2+$0x0], $0xffff  }
0x1dd: {  	[tilespmem:v5+s2+$0x0] =	vst.idx.add.s32.msk vm0, v7  }
0x1de: {  	v5 =	vld [tilespmem:s31+$0x12810];
	_ =	sdelay $0x4  }
0x1df: {  	v9 =	vshrl.u32 v5, $0x10  }
0x1e0: {  	v10 =	vand.u32 $0x1, v5;
	v11 =	vshll.u32 v9, $0x1  }
0x1e1: {  	(xrf1) =	vunique.msk.u32 $0xffff, v9;
	v11 =	vor.u32 v10, v11  }
0x1e2: {  	(xrf1) =	vunique.msk.u32 $0xffff, v11;
	_ =	sdelay $0xc  }
0x1e3: {  	_, v11, vm0 =	vpop (xrf1)  }
0x1e4: {  	_, v12, _ =	vpop (xrf1)  }
0x1e5: {  	v10 =	vshll.u32 v10, $0x1;
	v12 =	vshll.u32 v12, $0x1  }
0x1e6: {  	v10 =	vsub.s32 $0x1, v10;
	v11 =	vsub.s32 v12, v11  }
0x1e7: {  	v11 =	vmul.u32 v10, v11  }
0x1e8: {  	v56 =	vld.idx.msk [tilespmem:v9+s2+$0x0], $0xffff  }
0x1e9: {  	[tilespmem:v9+s2+$0x0] =	vst.idx.add.s32.msk vm0, v11  }
0x1ea: {  	v9 =	vld [tilespmem:s31+$0x12820];
	_ =	sdelay $0x4  }
0x1eb: {  	v13 =	vshrl.u32 v9, $0x10  }
0x1ec: {  	v14 =	vand.u32 $0x1, v9;
	v15 =	vshll.u32 v13, $0x1  }
0x1ed: {  	(xrf1) =	vunique.msk.u32 $0xffff, v13;
	v15 =	vor.u32 v14, v15  }
0x1ee: {  	(xrf1) =	vunique.msk.u32 $0xffff, v15;
	_ =	sdelay $0xc  }
0x1ef: {  	_, v57, vm0 =	vpop (xrf1)  }
0x1f0: {  	_, v16, _ =	vpop (xrf1)  }
0x1f1: {  	v14 =	vshll.u32 v14, $0x1;
	v16 =	vshll.u32 v16, $0x1  }
0x1f2: {  	v14 =	vsub.s32 $0x1, v14;
	v15 =	vsub.s32 v16, v57  }
0x1f3: {  	v15 =	vmul.u32 v14, v15  }
0x1f4: {  	v58 =	vld.idx.msk [tilespmem:v13+s2+$0x0], $0xffff  }
0x1f5: {  	[tilespmem:v13+s2+$0x0] =	vst.idx.add.s32.msk vm0, v15  }
0x1f6: {  	v13 =	vld [tilespmem:s31+$0x12830];
	_ =	sdelay $0x4  }
0x1f7: {  	v17 =	vshrl.u32 v13, $0x10  }
0x1f8: {  	v18 =	vand.u32 $0x1, v13;
	v19 =	vshll.u32 v17, $0x1  }
0x1f9: {  	(xrf1) =	vunique.msk.u32 $0xffff, v17;
	v19 =	vor.u32 v18, v19  }
0x1fa: {  	(xrf1) =	vunique.msk.u32 $0xffff, v19;
	_ =	sdelay $0x4  }
0x1fb: {  	v6 =	vcvt.s32.f32 v6  }
0x1fc: {  	v7 =	vadd.s32 v8, v7  }
0x1fd: {  	v6 =	vadd.f32 v6, v6;
	v7 =	vcvt.s32.f32 v7;
	_ =	sdelay $0x1  }
0x1fe: {  	v6 =	vmul.f32 v7, v6  }
0x1ff: {  	v10 =	vcvt.s32.f32 v10  }
0x200: {  	v6 =	vsub.f32 $1.000000000e+00, v6;
	v14 =	vcvt.s32.f32 v14  }
0x201: {  	v10 =	vadd.f32 v10, v10;
	vm0 =	vgt.s32 v4, $0xFFFFFFFF;
	v59 =	vadd.s32 v58, v15  }
0x202: {  	v14 =	vadd.f32 v14, v14;
	v8 =	vsel vm0, $0xFFFFFFFF, v2;
	vm0 =	vgt.s32 v5, $0xFFFFFFFF;
	_, v7, vm1 =	vpop (xrf1)  }
0x203: {  	v12 =	vcvt.s32.f32 v59;
	v4 =	vxor.u32 v4, v8;
	v8 =	vadd.s32 v56, v11;
	v62 =	vld.idx.msk [tilespmem:v17+s2+$0x0], $0xffff;
	_, v60, _ =	vpop (xrf1)  }
0x204: {  	v8 =	vcvt.s32.f32 v8;
	v61 =	vshll.u32 v18, $0x1;
	v15 =	vshll.u32 v60, $0x1  }
0x205: {  	v11 =	vsel vm0, $0xFFFFFFFF, v2;
	v16 =	vsub.s32 $0x1, v61;
	v7 =	vsub.s32 v15, v7  }
0x206: {  	v6 =	vmul.f32 v4, v6;
	v4 =	vmul.f32 v8, v10;
	v7 =	vmul.u32 v16, v7  }
0x207: {  	vm0 =	vgt.s32 v9, $0xFFFFFFFF;
	v5 =	vxor.u32 v5, v11;
	v10 =	vcvt.s32.f32 v16  }
0x208: {  	s25 =	simm.s32 $0x40;
	v8 =	vmul.f32 v12, v14;
	v63 =	vsub.f32 $1.000000000e+00, v4;
	[tilespmem:v17+s2+$0x0] =	vst.idx.add.s32.msk vm1, v7;
	v7 =	vadd.s32 v62, v7  }
0x209: {  	v11 =	vsel vm0, $0xFFFFFFFF, v2;
	v10 =	vadd.f32 v10, v10;
	v4 =	vld [tilespmem:s25+$0x12800];
	v7 =	vcvt.s32.f32 v7  }
0x20a: {  	v3 =	vadd.f32 v6, v3;
	v8 =	vsub.f32 $1.000000000e+00, v8;
	v5 =	vmul.f32 v5, v63  }
0x20b: {  	v9 =	vxor.u32 v9, v11;
	v6 =	vmul.f32 v7, v10  }
0x20c: {  	vm0 =	vgt.s32 v13, $0xFFFFFFFF;
	v8 =	vmul.f32 v9, v8;
	v3 =	vadd.f32 v5, v3  }
0x20d: {  	v11 =	vsel vm0, $0xFFFFFFFF, v2;
	v5 =	vsub.f32 $1.000000000e+00, v6  }
0x20e: {  	v9 =	vxor.u32 v13, v11;
	v3 =	vadd.f32 v8, v3;
	v6 =	vshrl.u32 v4, $0x10  }
0x20f: {  	v7 =	vand.u32 $0x1, v4;
	v10 =	vshll.u32 v6, $0x1;
	v5 =	vmul.f32 v9, v5  }
0x210: {  	s26 =	simm.s32 $0x200;
	vm0 =	vgt.s32 v4, $0xFFFFFFFF;
	(xrf1) =	vunique.msk.u32 $0xffff, v6;
	v8 =	vor.u32 v7, v10  }
.LBB2_35:
0x211: {  	p2 =	sne.s32 s26, $0x1F00;
	(xrf1) =	vunique.msk.u32 $0xffff, v8;
	v3 =	vadd.f32 v5, v3;
	s28 =	smov.u32 s26;
	s26 =	sadd.s32 $0x100, s26  }
0x212: {  	_ =	sdelay $0xb  }
0x213: {  	_, v5, vm1 =	vpop (xrf1)  }
0x214: {  	_, v8, _ =	vpop (xrf1)  }
0x215: {  	v7 =	vshll.u32 v7, $0x1;
	v8 =	vshll.u32 v8, $0x1  }
0x216: {  	v7 =	vsub.s32 $0x1, v7;
	v5 =	vsub.s32 v8, v5  }
0x217: {  	v5 =	vmul.u32 v7, v5;
	v7 =	vcvt.s32.f32 v7  }
0x218: {  	v8 =	vld.idx.msk [tilespmem:v6+s2+$0x0], $0xffff  }
0x219: {  	[tilespmem:v6+s2+$0x0] =	vst.idx.add.s32.msk vm1, v5  }
0x21a: {  	v6 =	vld [tilespmem:s25+$0x12810];
	_ =	sdelay $0x3  }
0x21b: {  	v7 =	vadd.f32 v7, v7;
	v5 =	vadd.s32 v8, v5  }
0x21c: {  	v5 =	vcvt.s32.f32 v5;
	v8 =	vshrl.u32 v6, $0x10;
	vm1 =	vgt.s32 v6, $0xFFFFFFFF  }
0x21d: {  	v9 =	vand.u32 $0x1, v6;
	v10 =	vshll.u32 v8, $0x1;
	v11 =	vsel vm1, $0xFFFFFFFF, v2  }
0x21e: {  	v5 =	vmul.f32 v5, v7;
	v7 =	vor.u32 v9, v10;
	v9 =	vshll.u32 v9, $0x1;
	(xrf1) =	vunique.msk.u32 $0xffff, v8  }
0x21f: {  	v6 =	vxor.u32 v6, v11;
	(xrf1) =	vunique.msk.u32 $0xffff, v7  }
0x220: {  	v7 =	vsel vm0, $0xFFFFFFFF, v2;
	v5 =	vsub.f32 $1.000000000e+00, v5  }
0x221: {  	v4 =	vxor.u32 v4, v7  }
0x222: {  	v5 =	vmul.f32 v4, v5;
	_ =	sdelay $0x9  }
0x223: {  	_, v4, vm0 =	vpop (xrf1)  }
0x224: {  	_, v7, _ =	vpop (xrf1)  }
0x225: {  	v7 =	vshll.u32 v7, $0x1  }
0x226: {  	v9 =	vsub.s32 $0x1, v9;
	v4 =	vsub.s32 v7, v4  }
0x227: {  	v7 =	vcvt.s32.f32 v9;
	v4 =	vmul.u32 v9, v4  }
0x228: {  	v9 =	vld.idx.msk [tilespmem:v8+s2+$0x0], $0xffff  }
0x229: {  	[tilespmem:v8+s2+$0x0] =	vst.idx.add.s32.msk vm0, v4  }
0x22a: {  	v8 =	vld [tilespmem:s25+$0x12820];
	_ =	sdelay $0x3  }
0x22b: {  	v7 =	vadd.f32 v7, v7;
	v4 =	vadd.s32 v9, v4  }
0x22c: {  	v4 =	vcvt.s32.f32 v4;
	v9 =	vshrl.u32 v8, $0x10;
	vm0 =	vgt.s32 v8, $0xFFFFFFFF  }
0x22d: {  	v10 =	vand.u32 $0x1, v8;
	v11 =	vshll.u32 v9, $0x1;
	v12 =	vsel vm0, $0xFFFFFFFF, v2  }
0x22e: {  	v11 =	vor.u32 v10, v11;
	v10 =	vshll.u32 v10, $0x1;
	v8 =	vxor.u32 v8, v12;
	(xrf1) =	vunique.msk.u32 $0xffff, v9  }
0x22f: {  	v4 =	vmul.f32 v4, v7;
	(xrf1) =	vunique.msk.u32 $0xffff, v11;
	_ =	sdelay $0x1  }
0x230: {  	v4 =	vsub.f32 $1.000000000e+00, v4;
	v7 =	vld.idx.msk [tilespmem:v9+s2+$0x0], $0xffff;
	_ =	sdelay $0x1  }
0x231: {  	v6 =	vmul.f32 v6, v4;
	_ =	sdelay $0x8  }
0x232: {  	_, v4, vm0 =	vpop (xrf1)  }
0x233: {  	_, v11, _ =	vpop (xrf1)  }
0x234: {  	v11 =	vshll.u32 v11, $0x1  }
0x235: {  	v10 =	vsub.s32 $0x1, v10;
	v4 =	vsub.s32 v11, v4  }
0x236: {  	v4 =	vmul.u32 v10, v4  }
0x237: {  	v10 =	vcvt.s32.f32 v10  }
0x238: {  	v7 =	vadd.s32 v7, v4;
	[tilespmem:v9+s2+$0x0] =	vst.idx.add.s32.msk vm0, v4  }
0x239: {  	v4 =	vcvt.s32.f32 v7;
	v7 =	vadd.f32 v10, v10;
	v9 =	vld [tilespmem:s25+$0x12830];
	_ =	sdelay $0x1  }
0x23a: {  	v4 =	vmul.f32 v4, v7;
	_ =	sdelay $0x1  }
0x23b: {  	v4 =	vsub.f32 $1.000000000e+00, v4  }
0x23c: {  	v7 =	vshrl.u32 v9, $0x10;
	vm0 =	vgt.s32 v9, $0xFFFFFFFF  }
0x23d: {  	v8 =	vmul.f32 v8, v4;
	v4 =	vand.u32 $0x1, v9;
	v10 =	vshll.u32 v7, $0x1  }
0x23e: {  	v11 =	vsel vm0, $0xFFFFFFFF, v2;
	v10 =	vor.u32 v4, v10;
	v4 =	vshll.u32 v4, $0x1;
	(xrf1) =	vunique.msk.u32 $0xffff, v7  }
0x23f: {  	v9 =	vxor.u32 v9, v11;
	(xrf1) =	vunique.msk.u32 $0xffff, v10;
	_ =	sdelay $0x1  }
0x240: {  	v10 =	vld.idx.msk [tilespmem:v7+s2+$0x0], $0xffff;
	_ =	sdelay $0xa  }
0x241: {  	_, v11, vm0 =	vpop (xrf1)  }
0x242: {  	_, v12, _ =	vpop (xrf1)  }
0x243: {  	v12 =	vshll.u32 v12, $0x1  }
0x244: {  	v4 =	vsub.s32 $0x1, v4;
	v11 =	vsub.s32 v12, v11  }
0x245: {  	v12 =	vcvt.s32.f32 v4;
	v11 =	vmul.u32 v4, v11;
	_ =	sdelay $0x1  }
0x246: {  	s25 =	sshra.s32 s28, $0x2;
	v10 =	vadd.s32 v10, v11;
	[tilespmem:v7+s2+$0x0] =	vst.idx.add.s32.msk vm0, v11  }
0x247: {  	v4 =	vld [tilespmem:s25+$0x12800];
	v7 =	vcvt.s32.f32 v10;
	v10 =	vadd.f32 v12, v12  }
0x248: {  	v3 =	vadd.f32 v5, v3  }
0x249: {  	v5 =	vmul.f32 v7, v10  }
.Ltmp17:
0x24a: {  	v3 =	vadd.f32 v6, v3;
	(pc) =	sbr.rel @p2 .LBB2_35-.Ltmp17, $4  }
0x24b: {  	v5 =	vsub.f32 $1.000000000e+00, v5  }
0x24c: {  	v3 =	vadd.f32 v8, v3;
	v6 =	vshrl.u32 v4, $0x10;
	vm0 =	vgt.s32 v4, $0xFFFFFFFF  }
0x24d: {  	v7 =	vand.u32 $0x1, v4;
	v8 =	vshll.u32 v6, $0x1;
	v5 =	vmul.f32 v9, v5  }
0x24e: {  	v8 =	vor.u32 v7, v8;
	(xrf1) =	vunique.msk.u32 $0xffff, v6  }
0x24f: {  	(xrf1) =	vunique.msk.u32 $0xffff, v8;
	_ =	sdelay $0xc  }
0x250: {  	_, v43, vm1 =	vpop (xrf1)  }
0x251: {  	_, v9, _ =	vpop (xrf1)  }
0x252: {  	v7 =	vshll.u32 v7, $0x1;
	v9 =	vshll.u32 v9, $0x1  }
0x253: {  	v7 =	vsub.s32 $0x1, v7;
	v8 =	vsub.s32 v9, v43  }
0x254: {  	v8 =	vmul.u32 v7, v8  }
0x255: {  	v44 =	vld.idx.msk [tilespmem:v6+s2+$0x0], $0xffff  }
0x256: {  	[tilespmem:v6+s2+$0x0] =	vst.idx.add.s32.msk vm1, v8  }
0x257: {  	v6 =	vld [tilespmem:s25+$0x12810];
	_ =	sdelay $0x4  }
0x258: {  	v10 =	vshrl.u32 v6, $0x10  }
0x259: {  	v11 =	vand.u32 $0x1, v6;
	v12 =	vshll.u32 v10, $0x1  }
0x25a: {  	(xrf1) =	vunique.msk.u32 $0xffff, v10;
	v12 =	vor.u32 v11, v12  }
0x25b: {  	(xrf1) =	vunique.msk.u32 $0xffff, v12;
	_ =	sdelay $0xc  }
0x25c: {  	_, v45, vm10 =	vpop (xrf1)  }
0x25d: {  	_, v13, _ =	vpop (xrf1)  }
0x25e: {  	v11 =	vshll.u32 v11, $0x1;
	v13 =	vshll.u32 v13, $0x1  }
0x25f: {  	v11 =	vsub.s32 $0x1, v11;
	v12 =	vsub.s32 v13, v45  }
0x260: {  	v12 =	vmul.u32 v11, v12  }
0x261: {  	v46 =	vld.idx.msk [tilespmem:v10+s2+$0x0], $0xffff  }
0x262: {  	[tilespmem:v10+s2+$0x0] =	vst.idx.add.s32.msk vm10, v12  }
0x263: {  	v10 =	vld [tilespmem:s25+$0x12820];
	_ =	sdelay $0x4  }
0x264: {  	v14 =	vshrl.u32 v10, $0x10  }
0x265: {  	v15 =	vand.u32 $0x1, v10;
	v16 =	vshll.u32 v14, $0x1  }
0x266: {  	(xrf1) =	vunique.msk.u32 $0xffff, v14;
	v16 =	vor.u32 v15, v16  }
0x267: {  	(xrf1) =	vunique.msk.u32 $0xffff, v16;
	_ =	sdelay $0xc  }
0x268: {  	_, v47, vm11 =	vpop (xrf1)  }
0x269: {  	_, v17, _ =	vpop (xrf1)  }
0x26a: {  	v15 =	vshll.u32 v15, $0x1;
	v17 =	vshll.u32 v17, $0x1  }
0x26b: {  	v15 =	vsub.s32 $0x1, v15;
	v16 =	vsub.s32 v17, v47  }
0x26c: {  	v16 =	vmul.u32 v15, v16  }
0x26d: {  	v48 =	vld.idx.msk [tilespmem:v14+s2+$0x0], $0xffff  }
0x26e: {  	[tilespmem:v14+s2+$0x0] =	vst.idx.add.s32.msk vm11, v16  }
0x26f: {  	v14 =	vld [tilespmem:s25+$0x12830];
	_ =	sdelay $0x4  }
0x270: {  	v18 =	vshrl.u32 v14, $0x10  }
0x271: {  	v19 =	vand.u32 $0x1, v14;
	v20 =	vshll.u32 v18, $0x1  }
0x272: {  	(xrf1) =	vunique.msk.u32 $0xffff, v18;
	v20 =	vor.u32 v19, v20  }
0x273: {  	(xrf1) =	vunique.msk.u32 $0xffff, v20;
	_ =	sdelay $0x4  }
0x274: {  	v7 =	vcvt.s32.f32 v7  }
0x275: {  	v8 =	vadd.s32 v44, v8  }
0x276: {  	v7 =	vadd.f32 v7, v7;
	v8 =	vcvt.s32.f32 v8;
	_ =	sdelay $0x1  }
0x277: {  	v7 =	vmul.f32 v8, v7;
	_ =	sdelay $0x1  }
0x278: {  	v51 =	vsel vm0, $0xFFFFFFFF, v2;
	v7 =	vsub.f32 $1.000000000e+00, v7  }
0x279: {  	v4 =	vxor.u32 v4, v51;
	v49 =	vcvt.s32.f32 v11  }
0x27a: {  	v3 =	vadd.f32 v5, v3;
	vm13 =	vgt.s32 v6, $0xFFFFFFFF;
	v4 =	vmul.f32 v4, v7;
	_, v5, vm12 =	vpop (xrf1)  }
0x27b: {  	v59 =	vsel vm13, $0xFFFFFFFF, v2;
	v8 =	vadd.f32 v49, v49;
	v50 =	vadd.s32 v46, v12;
	v54 =	vld.idx.msk [tilespmem:v18+s2+$0x0], $0xffff;
	_, v55, _ =	vpop (xrf1)  }
0x27c: {  	v9 =	vcvt.s32.f32 v50;
	v57 =	vshll.u32 v19, $0x1;
	v11 =	vshll.u32 v55, $0x1  }
0x27d: {  	v56 =	vcvt.s32.f32 v15;
	v13 =	vsub.s32 $0x1, v57;
	v5 =	vsub.s32 v11, v5  }
0x27e: {  	v52 =	vmul.f32 v9, v8;
	v53 =	vadd.s32 v48, v16;
	v5 =	vmul.u32 v13, v5  }
0x27f: {  	v58 =	vadd.f32 v56, v56;
	v8 =	vcvt.s32.f32 v53;
	v13 =	vcvt.s32.f32 v13  }
0x280: {  	v6 =	vxor.u32 v6, v59;
	v7 =	vsub.f32 $1.000000000e+00, v52;
	v9 =	vadd.s32 v54, v5  }
0x281: {  	v8 =	vmul.f32 v8, v58;
	v13 =	vadd.f32 v13, v13;
	v9 =	vcvt.s32.f32 v9  }
0x282: {  	v3 =	vadd.f32 v4, v3;
	vm14 =	vgt.s32 v10, $0xFFFFFFFF;
	v6 =	vmul.f32 v6, v7  }
0x283: {  	s24 =	sadd.s32 $0x1, s24;
	v60 =	vsel vm14, $0xFFFFFFFF, v2;
	v8 =	vsub.f32 $1.000000000e+00, v8;
	v4 =	vmul.f32 v9, v13  }
0x284: {  	p2 =	sne.s32 s24, $0x40;
	v10 =	vxor.u32 v10, v60;
	v3 =	vadd.f32 v6, v3;
	vm15 =	vgt.s32 v14, $0xFFFFFFFF  }
.Ltmp18:
0x285: {  	v61 =	vmul.f32 v10, v8;
	v62 =	vsel vm15, $0xFFFFFFFF, v2;
	v4 =	vsub.f32 $1.000000000e+00, v4;
	(pc) =	sbr.rel @p2 .LBB2_34-.Ltmp18, $3  }
0x286: {  	v63 =	vxor.u32 v14, v62  }
0x287: {  	v3 =	vadd.f32 v61, v3;
	v4 =	vmul.f32 v63, v4;
	_ =	sdelay $0x1  }
0x288: {  	[tilespmem:v18+s2+$0x0] =	vst.idx.add.s32.msk vm12, v5;
	v3 =	vadd.f32 v4, v3  }
0x289: {  	_ = 	snop  }
0x28a: {  	(xrf2) =	vadd.scan.msk.f32 $0xffff, v3;
	_ =	sdelay $0x9  }
0x28b: {  	v3, _, _ =	vpop (xrf2)  }
0x28c: {  	v3 =	vbroadcast v3, $0xF  }
0x28d: {  	vm0 =	vmmov $0x1;
	s22 =	sadd.s32 $0x1, s22  }
0x28e: {  	p2 =	sne.s32 s22, s13;
	v3 =	vnsel vm0, $0x0, v3  }
.Ltmp19:
0x28f: {  	[tilespmem:$0x12000] =	vst v3;
	(pc) =	sbr.rel @p2 .LBB2_1-.Ltmp19, $4  }
0x290: {  	[hbm4b:s12+s2] =	stream.linear.scatter [tilespmem:s14], [sflag:$0x2], $0x10, $0x38;
	[tilespmem:$0x15800] =	vst v63  }
0x291: {  	_ =	swait.ge [sflag:s15], $0x10  }
0x292: {  	[sflag:s15] =	ssyncset.done $0x0  }
0x293: {  	[sflag:s15] =	ssyncadd.s32 $0xFFFFFFF0  }
0x294: {  	_ =	sfence.sel $0x180000  }
0x295: {  	[bflag:$0x0] =	sbarrier.arrive $0xFFFF  }
0x296: {  	_ =	strace $0x90000047  }
0x297: {  	[bflag:$0x2] =	sbarrier.arrive $0xFFFF  }
0x298: {  	p0 =	sne.s32 s1, $0x0;
	s0 =	rddreg [dreg:$0x2]  }
0x299: {  	s0 =	sadd.s32 @!p0 $0x100000, s0  }
0x29a: {  	[sflag:s0] =	ssyncadd.tile.s32 @!p0 $0x1;
	_ =	shalt  }
.Lfunc_end2:
_tile_overlayer_lowered:
.L_overlay_start_2:
0x29b: {  	(tag) =	ssettag $0x2  }
0x29c: {  	s0 =	rddreg [dreg:$0x0];
	s2 =	stileid.u32  }
0x29d: {  	s1 =	rddreg [dreg:$0x1];
	p0 =	sne.s32 s2, $0x0  }
0x29e: {  	s3 =	rddreg [dreg:$0x2];
	[bflag:$0x3] =	sbarrier.arrive $0xFFFF;
	s2 =	simm.s32 @!p0 $0x1C02  }
0x29f: {  	[timem:s3], [sflag:s2] =	dma.local @!p0 [hbm:s0], s1  }
0x2a0: {  	s0 =	simm.s32 @!p0 $0x2  }
0x2a1: {  	_ =	swait.ge @!p0 [sflag:s0], s1  }
0x2a2: {  	s1 =	ssub.s32 @!p0 $0x0, s1;
	[sflag:s0] =	ssyncset.done @!p0 $0x0  }
0x2a3: {  	[sflag:s0] =	ssyncadd.s32 @!p0 s1  }
0x2a4: {  	[bflag:$0x3] =	sbarrier.arrive $0xFFFF  }
0x2a5: {  	_ =	shalt  }

</sc_bundles>
